<compile_context>
chip_gen: v7x
topology: tpu7x:2x2x1
jax: 0.10.2.dev20260603
libtpu: 0.0.44.dev20260713+nightly
codegen_flags: <defaults>
</compile_context>

<pallas_src>
import jax
import jax.numpy as jnp
from jax import lax
from jax.experimental import pallas as pl
from jax.experimental.pallas import tpu as pltpu
from jax.experimental.pallas import tpu_sc as plsc

N_NODES = 10000
CH = 128
EMB_CH = 32
NC = 2
NS = 16
NW = NC * NS
CHUNK = 128
NSTEPS = 80
HALF = NSTEPS // 2
PAIRS = NSTEPS // 2
AGG_ROWS = NSTEPS * CHUNK


def _silu_ln(z, g, b):
    z = z * (1.0 / (1.0 + jnp.exp(-z)))
    mu = jnp.mean(z, axis=-1, keepdims=True)
    var = jnp.mean((z - mu) * (z - mu), axis=-1, keepdims=True)
    return (z - mu) * jax.lax.rsqrt(var + 1e-5) * g + b


def _tc1_body(x_ref, emb_ref, wemb_ref, wx_ref, bin_ref, g_ref, b_ref, h_ref):
    x = x_ref[...]
    blk = x.shape[0]
    cols = lax.broadcasted_iota(jnp.int32, (blk, CH), 1)
    opc = x[:, 0:1].astype(jnp.int32)
    onehot = (cols == opc).astype(jnp.float32)
    w_emb = jnp.dot(emb_ref[...], wemb_ref[...], preferred_element_type=jnp.float32)
    xz = jnp.where(cols == 0, 0.0, x)
    z = (jnp.dot(onehot, w_emb, preferred_element_type=jnp.float32)
         + jnp.dot(xz, wx_ref[...], preferred_element_type=jnp.float32)
         + bin_ref[...])
    h_ref[...] = _silu_ln(z, g_ref[...], b_ref[...])


def _tc2a_body(h_ref, wmh_ref, bm_ref, zh_ref):
    zh_ref[...] = (jnp.dot(h_ref[...], wmh_ref[...],
                           preferred_element_type=jnp.float32) + bm_ref[...])


def _tc2b_body(zh_ref, agg2_ref, deg2_ref, wma_ref, g_ref,
               b_ref, wo_ref, bo_ref, out_ref):
    a = agg2_ref[0] + agg2_ref[1]
    deg = deg2_ref[0, :, 0:1] + deg2_ref[1, :, 0:1]
    a = a / jnp.maximum(deg, 1.0)
    z = zh_ref[...] + jnp.dot(a, wma_ref[...], preferred_element_type=jnp.float32)
    z = _silu_ln(z, g_ref[...], b_ref[...])
    out_ref[...] = jnp.sum(z * wo_ref[...], axis=-1, keepdims=True) + bo_ref[...]


def _sc_agg_body(h_hbm, srcs_hbm, dsts_hbm, zeros_hbm, agg_out,
                 src_half, dst_half, rows_a, rows_b, agg_sh,
                 sem_ga, sem_gb, sem_sa, sem_sb):
    c = lax.axis_index("c")
    s = lax.axis_index("s")
    wid = s * NC + c
    nchunks = AGG_ROWS // CHUNK

    pltpu.sync_copy(srcs_hbm.at[wid, pl.ds(0, HALF)], src_half)
    pltpu.sync_copy(dsts_hbm.at[wid, pl.ds(0, HALF)], dst_half)
    pltpu.sync_copy(zeros_hbm, rows_a)

    @pl.loop(s, nchunks, step=NS)
    def _zero(j):
        pltpu.sync_copy(rows_a, agg_sh.at[pl.ds(j * CHUNK, CHUNK)])

    plsc.subcore_barrier()

    def _row(j):
        return jnp.where(j >= HALF, j - HALF, j)

    def _gather(j, buf, sem):
        pltpu.async_copy(h_hbm.at[src_half.at[_row(j)]], buf, sem)

    def _wait_gather(j, buf, sem):
        pltpu.make_async_copy(h_hbm.at[src_half.at[_row(j)]], buf, sem).wait()

    def _scat(j, buf, sem):
        pltpu.async_copy(buf, agg_sh.at[dst_half.at[_row(j)]], sem, add=True)

    def _wait_scat(j, buf, sem):
        pltpu.make_async_copy(buf, agg_sh.at[dst_half.at[_row(j)]], sem).wait()

    _gather(0, rows_a, sem_ga)

    @pl.loop(0, PAIRS)
    def _pairs(p):
        j0 = 2 * p
        j1 = j0 + 1

        @pl.when(p > 0)
        def _():
            _wait_scat(j1 - 2, rows_b, sem_sb)

        @pl.when(p == HALF // 2)
        def _():
            pltpu.sync_copy(dsts_hbm.at[wid, pl.ds(HALF, HALF)], dst_half)

        _gather(j1, rows_b, sem_gb)
        _wait_gather(j0, rows_a, sem_ga)
        _scat(j0, rows_a, sem_sa)
        _wait_gather(j1, rows_b, sem_gb)
        _scat(j1, rows_b, sem_sb)

        @pl.when(p == HALF // 2 - 1)
        def _():
            pltpu.sync_copy(srcs_hbm.at[wid, pl.ds(HALF, HALF)], src_half)

        @pl.when(p < PAIRS - 1)
        def _():
            _wait_scat(j0, rows_a, sem_sa)
            _gather(j0 + 2, rows_a, sem_ga)

    _wait_scat(NSTEPS - 2, rows_a, sem_sa)
    _wait_scat(NSTEPS - 1, rows_b, sem_sb)
    plsc.subcore_barrier()

    @pl.loop(s, nchunks, step=NS)
    def _drain(j):
        rows = pl.ds(j * CHUNK, CHUNK)
        pltpu.sync_copy(agg_sh.at[rows], rows_a)
        pltpu.sync_copy(rows_a, agg_out.at[c, rows])


def _sc_deg_body(dsts_hbm, zeros_hbm, ones_hbm, deg_out,
                 dst_all, ones_v, deg_sh, sem):
    c = lax.axis_index("c")
    s = lax.axis_index("s")
    wid = s * NC + c
    nchunks = AGG_ROWS // CHUNK

    pltpu.sync_copy(dsts_hbm.at[wid], dst_all)
    pltpu.sync_copy(zeros_hbm, ones_v)

    @pl.loop(s, nchunks, step=NS)
    def _zero(j):
        pltpu.sync_copy(ones_v, deg_sh.at[pl.ds(j * CHUNK, CHUNK)])

    pltpu.sync_copy(ones_hbm, ones_v)
    plsc.subcore_barrier()

    @pl.loop(0, NSTEPS // 8)
    def _edges(g):
        for k in range(8):
            pltpu.async_copy(ones_v, deg_sh.at[dst_all.at[g * 8 + k]], sem,
                             add=True)
        for k in range(8):
            pltpu.make_async_copy(ones_v, deg_sh.at[dst_all.at[g * 8 + k]],
                                  sem).wait()

    plsc.subcore_barrier()

    @pl.loop(s, nchunks, step=NS)
    def _drain(j):
        rows = pl.ds(j * CHUNK, CHUNK)
        pltpu.sync_copy(deg_sh.at[rows], ones_v)
        pltpu.sync_copy(ones_v, deg_out.at[c, rows])


def kernel(x, edge_index, emb_table, W_in, b_in, ln1_g, ln1_b, W_msg, b_msg,
           ln2_g, ln2_b, W_out, b_out):
    f32 = jnp.float32
    n = x.shape[0]
    e = edge_index.shape[1]

    wemb = W_in[:EMB_CH]
    wx = jnp.concatenate([jnp.zeros((1, CH), f32), W_in[EMB_CH:]], axis=0)
    blk1 = 2000
    h = pl.pallas_call(
        _tc1_body,
        grid=(n // blk1,),
        in_specs=[
            pl.BlockSpec((blk1, CH), lambda i: (i, 0)),
            pl.BlockSpec((CH, EMB_CH), lambda i: (0, 0)),
            pl.BlockSpec((EMB_CH, CH), lambda i: (0, 0)),
            pl.BlockSpec((CH, CH), lambda i: (0, 0)),
            pl.BlockSpec((1, CH), lambda i: (0, 0)),
            pl.BlockSpec((1, CH), lambda i: (0, 0)),
            pl.BlockSpec((1, CH), lambda i: (0, 0)),
        ],
        out_specs=pl.BlockSpec((blk1, CH), lambda i: (i, 0)),
        out_shape=jax.ShapeDtypeStruct((n, CH), f32),
    )(x, emb_table, wemb, wx, b_in.reshape(1, CH), ln1_g.reshape(1, CH),
      ln1_b.reshape(1, CH))

    epw = NSTEPS * CHUNK
    e_pad = epw * NW
    src = edge_index[0].astype(jnp.int32)
    dst = edge_index[1].astype(jnp.int32)
    pad = e_pad - e
    pad_ids = jnp.arange(pad, dtype=jnp.int32)
    srcs = jnp.concatenate([src, pad_ids % jnp.int32(n)])
    dsts = jnp.concatenate(
        [dst, jnp.int32(n) + pad_ids % jnp.int32(AGG_ROWS - n)])
    srcs = srcs.reshape(NW, NSTEPS, CHUNK)
    dsts = dsts.reshape(NW, NSTEPS, CHUNK)
    zeros = jnp.zeros((CHUNK, CH), f32)
    zeros16 = jnp.zeros((CHUNK, 16), f32)
    ones16 = jnp.ones((CHUNK, 16), f32)

    mesh = plsc.VectorSubcoreMesh(core_axis_name="c", subcore_axis_name="s")
    deg2 = pl.kernel(
        _sc_deg_body,
        out_type=jax.ShapeDtypeStruct((NC, AGG_ROWS, 16), f32),
        mesh=mesh,
        compiler_params=pltpu.CompilerParams(use_tc_tiling_on_sc=False),
        scratch_types=[
            pltpu.VMEM((NSTEPS, CHUNK), jnp.int32),
            pltpu.VMEM((CHUNK, 16), f32),
            pltpu.VMEM_SHARED((AGG_ROWS, 16), f32),
            pltpu.SemaphoreType.DMA,
        ],
    )(dsts, zeros16, ones16)
    agg2 = pl.kernel(
        _sc_agg_body,
        out_type=jax.ShapeDtypeStruct((NC, AGG_ROWS, CH), f32),
        mesh=mesh,
        scratch_types=[
            pltpu.VMEM((HALF, CHUNK), jnp.int32),
            pltpu.VMEM((HALF, CHUNK), jnp.int32),
            pltpu.VMEM((CHUNK, CH), f32),
            pltpu.VMEM((CHUNK, CH), f32),
            pltpu.VMEM_SHARED((AGG_ROWS, CH), f32),
            pltpu.SemaphoreType.DMA,
            pltpu.SemaphoreType.DMA,
            pltpu.SemaphoreType.DMA,
            pltpu.SemaphoreType.DMA,
        ],
    )(h, srcs, dsts, zeros)

    wmh = W_msg[:CH]
    wma = W_msg[CH:]
    blk2 = 2000
    zh = pl.pallas_call(
        _tc2a_body,
        grid=(n // blk2,),
        in_specs=[
            pl.BlockSpec((blk2, CH), lambda i: (i, 0)),
            pl.BlockSpec((CH, CH), lambda i: (0, 0)),
            pl.BlockSpec((1, CH), lambda i: (0, 0)),
        ],
        out_specs=pl.BlockSpec((blk2, CH), lambda i: (i, 0)),
        out_shape=jax.ShapeDtypeStruct((n, CH), f32),
    )(h, wmh, b_msg.reshape(1, CH))
    out = pl.pallas_call(
        _tc2b_body,
        grid=(n // blk2,),
        in_specs=[
            pl.BlockSpec((blk2, CH), lambda i: (i, 0)),
            pl.BlockSpec((NC, blk2, CH), lambda i: (0, i, 0)),
            pl.BlockSpec((NC, blk2, 16), lambda i: (0, i, 0)),
            pl.BlockSpec((CH, CH), lambda i: (0, 0)),
            pl.BlockSpec((1, CH), lambda i: (0, 0)),
            pl.BlockSpec((1, CH), lambda i: (0, 0)),
            pl.BlockSpec((1, CH), lambda i: (0, 0)),
            pl.BlockSpec((1, 1), lambda i: (0, 0)),
        ],
        out_specs=pl.BlockSpec((blk2, 1), lambda i: (i, 0)),
        out_shape=jax.ShapeDtypeStruct((n, 1), f32),
    )(zh, agg2, deg2, wma, ln2_g.reshape(1, CH),
      ln2_b.reshape(1, CH), W_out.reshape(1, CH), b_out.reshape(1, 1))
    return out[:, 0]

# --- scband reference (transcript-rebuilt; emitter-appended) ---
"""Pipeline reference for scband-tpugraph-network-14851996909841 (READ-ONLY COPY).

The authoritative reference and input builder live on the scoring server;
editing this copy changes nothing except your own understanding.
"""

import jax, jax.numpy as jnp
import numpy as np

N = 10000
E = 320000
IN_CH = 128
OUT_CH = 128
EMB = 32
NUM_EMB = 128


def _silu(x):
    return x * jax.nn.sigmoid(x)


def _layernorm(x, g, b, eps=1e-5):
    mu = jnp.mean(x, axis=-1, keepdims=True)
    var = jnp.var(x, axis=-1, keepdims=True)
    return (x - mu) / jnp.sqrt(var + eps) * g + b


def setup_inputs(seed: int = 0) -> dict:
    key = jax.random.key(seed)
    ks = jax.random.split(key, 10)
    x = jax.random.uniform(ks[0], (N, IN_CH), dtype=jnp.float32)
    op_codes = jax.random.randint(ks[1], (N,), 0, NUM_EMB)
    x = x.at[:, 0].set(op_codes.astype(jnp.float32))
    edge_index = jax.random.randint(ks[2], (2, E), 0, N)
    emb_table = jax.random.normal(ks[3], (NUM_EMB, EMB), dtype=jnp.float32) * 0.02
    fan_in1 = IN_CH + EMB - 1
    W_in = jax.random.normal(ks[4], (fan_in1, OUT_CH), dtype=jnp.float32) / jnp.sqrt(fan_in1)
    b_in = jnp.zeros((OUT_CH,), dtype=jnp.float32)
    ln1_g = jnp.ones((OUT_CH,), dtype=jnp.float32)
    ln1_b = jnp.zeros((OUT_CH,), dtype=jnp.float32)
    W_msg = jax.random.normal(ks[5], (2 * OUT_CH, OUT_CH), dtype=jnp.float32) / jnp.sqrt(2 * OUT_CH)
    b_msg = jnp.zeros((OUT_CH,), dtype=jnp.float32)
    ln2_g = jnp.ones((OUT_CH,), dtype=jnp.float32)
    ln2_b = jnp.zeros((OUT_CH,), dtype=jnp.float32)
    W_out = jax.random.normal(ks[6], (OUT_CH, 1), dtype=jnp.float32) / jnp.sqrt(OUT_CH)
    b_out = jnp.zeros((1,), dtype=jnp.float32)
    return {
        'x': x, 'edge_index': edge_index, 'emb_table': emb_table,
        'W_in': W_in, 'b_in': b_in, 'ln1_g': ln1_g, 'ln1_b': ln1_b,
        'W_msg': W_msg, 'b_msg': b_msg, 'ln2_g': ln2_g, 'ln2_b': ln2_b,
        'W_out': W_out, 'b_out': b_out,
    }


def reference(x, edge_index, emb_table, W_in, b_in, ln1_g, ln1_b, W_msg, b_msg, ln2_g, ln2_b, W_out, b_out):
    # EmbeddingInputLayer: embed op_code (first column), concat, project, silu, layernorm
    op_code = x[..., 0].astype(jnp.int32)
    embedding = jnp.take(emb_table, op_code, axis=0)
    h = jnp.concatenate([embedding, x[..., 1:]], axis=-1)
    h = h @ W_in + b_in
    h = _silu(h)
    h = _layernorm(h, ln1_g, ln1_b)
    # Message passing over edges: gather from src, mean-aggregate into dst
    src = edge_index[0]
    dst = edge_index[1]
    msgs = jnp.take(h, src, axis=0)
    agg = jax.ops.segment_sum(msgs, dst, num_segments=N)
    deg = jax.ops.segment_sum(jnp.ones((E,), dtype=h.dtype), dst, num_segments=N)
    agg = agg / jnp.maximum(deg, 1.0)[:, None]
    h = jnp.concatenate([h, agg], axis=-1) @ W_msg + b_msg
    h = _silu(h)
    h = _layernorm(h, ln2_g, ln2_b)
    # Per-node runtime prediction readout
    out = h @ W_out + b_out
    return out[:, 0]

if __name__ == "__main__":
    import jax
    _d = setup_inputs()
    print(jax.jit(kernel)(*tuple(_d.values())))

</pallas_src>

<mosaic_0001>
#map = affine_map<(d0, d1) -> (0, 0, 0)>
#map1 = affine_map<(d0, d1) -> (0, 0)>
module attributes {stable_mosaic.version = 14 : i64} {
  func.func @_sc_deg_body(%arg0: i32, %arg1: i32, %arg2: memref<32x80x128xi32, #tpu.memory_space<hbm>>, %arg3: memref<128x16xf32, #tpu.memory_space<hbm>>, %arg4: memref<128x16xf32, #tpu.memory_space<hbm>>, %arg5: memref<2x10240x16xf32, #tpu.memory_space<hbm>>, %arg6: memref<80x128xi32, #tpu.memory_space<vmem>>, %arg7: memref<128x16xf32, #tpu.memory_space<vmem>>, %arg8: memref<10240x16xf32, #tpu.memory_space<vmem_shared>>, %arg9: memref<!tpu.dma_semaphore, #tpu.memory_space<semaphore_mem>>) attributes {dimension_semantics = [#tpu.dimension_semantics<core_parallel>, #tpu.dimension_semantics<subcore_parallel>], iteration_bounds = array<i64: 2, 16>, scalar_prefetch = 0 : i64, scratch_operands = 4 : i64, tpu.core_type = #tpu.core_type<sc_vector_subcore>, window_params = [{transform_indices = #map}, {transform_indices = #map1}, {transform_indices = #map1}, {transform_indices = #map}]} {
    %mul3A = arith.constant 2 : i32
    %mul3A_0 = arith.muli %arg1, %mul3A : i32
    %add3A = arith.addi %mul3A_0, %arg0 : i32
    "tpu.region"() ({
      %run_scoped3A = tpu.sem_alloc : memref<!tpu.dma_semaphore, #tpu.memory_space<semaphore_mem>>
      %dma_start3A = arith.constant 0 : i32
      %dma_start3A_39 = arith.constant 0 : i32
      %dma_start3A_40 = tpu.memref_slice %arg2[%add3A, %dma_start3A, %dma_start3A_39] : memref<32x80x128xi32, #tpu.memory_space<hbm>> -> memref<1x80x128xi32, #tpu.memory_space<hbm>>
      %dma_start3A_41 = tpu.memref_squeeze %dma_start3A_40 : memref<1x80x128xi32, #tpu.memory_space<hbm>> -> memref<80x128xi32, #tpu.memory_space<hbm>>
      %dma_start3A_42 = arith.constant 0 : i32
      %dma_start3A_43 = arith.constant 0 : i32
      %dma_start3A_44 = tpu.memref_slice %arg2[%add3A, %dma_start3A_42, %dma_start3A_43] : memref<32x80x128xi32, #tpu.memory_space<hbm>> -> memref<1x80x128xi32, #tpu.memory_space<hbm>>
      %dma_start3A_45 = tpu.memref_squeeze %dma_start3A_44 : memref<1x80x128xi32, #tpu.memory_space<hbm>> -> memref<80x128xi32, #tpu.memory_space<hbm>>
      tpu.enqueue_dma source(%dma_start3A_45 : memref<80x128xi32, #tpu.memory_space<hbm>>) target(%arg6 : memref<80x128xi32, #tpu.memory_space<vmem>>) target_semaphore(%run_scoped3A : memref<!tpu.dma_semaphore, #tpu.memory_space<semaphore_mem>>)
      %dma_wait3A = arith.constant 0 : i32
      %dma_wait3A_46 = arith.constant 0 : i32
      %dma_wait3A_47 = tpu.memref_slice %arg2[%add3A, %dma_wait3A, %dma_wait3A_46] : memref<32x80x128xi32, #tpu.memory_space<hbm>> -> memref<1x80x128xi32, #tpu.memory_space<hbm>>
      %dma_wait3A_48 = tpu.memref_squeeze %dma_wait3A_47 : memref<1x80x128xi32, #tpu.memory_space<hbm>> -> memref<80x128xi32, #tpu.memory_space<hbm>>
      %dma_wait3A_49 = arith.constant 0 : i32
      %dma_wait3A_50 = arith.constant 0 : i32
      %dma_wait3A_51 = tpu.memref_slice %arg2[%add3A, %dma_wait3A_49, %dma_wait3A_50] : memref<32x80x128xi32, #tpu.memory_space<hbm>> -> memref<1x80x128xi32, #tpu.memory_space<hbm>>
      %dma_wait3A_52 = tpu.memref_squeeze %dma_wait3A_51 : memref<1x80x128xi32, #tpu.memory_space<hbm>> -> memref<80x128xi32, #tpu.memory_space<hbm>>
      tpu.wait_dma2 semaphore(%run_scoped3A : memref<!tpu.dma_semaphore, #tpu.memory_space<semaphore_mem>>) src(%dma_wait3A_52 : memref<80x128xi32, #tpu.memory_space<hbm>>) dst(%arg6 : memref<80x128xi32, #tpu.memory_space<vmem>>)
      tpu.yield
    }) : () -> ()
    "tpu.region"() ({
      %run_scoped3A = tpu.sem_alloc : memref<!tpu.dma_semaphore, #tpu.memory_space<semaphore_mem>>
      tpu.enqueue_dma source(%arg3 : memref<128x16xf32, #tpu.memory_space<hbm>>) target(%arg7 : memref<128x16xf32, #tpu.memory_space<vmem>>) target_semaphore(%run_scoped3A : memref<!tpu.dma_semaphore, #tpu.memory_space<semaphore_mem>>)
      tpu.wait_dma2 semaphore(%run_scoped3A : memref<!tpu.dma_semaphore, #tpu.memory_space<semaphore_mem>>) src(%arg3 : memref<128x16xf32, #tpu.memory_space<hbm>>) dst(%arg7 : memref<128x16xf32, #tpu.memory_space<vmem>>)
      tpu.yield
    }) : () -> ()
    %sub3A = arith.constant 80 : i32
    %sub3A_1 = arith.subi %sub3A, %arg1 : i32
    %sub3A_2 = arith.constant 16 : i32
    %sub3A_3 = arith.constant 1 : i32
    %sub3A_4 = arith.subi %sub3A_2, %sub3A_3 : i32
    %add3A_5 = arith.addi %sub3A_1, %sub3A_4 : i32
    %div3A = arith.constant 16 : i32
    %div3A_6 = arith.divsi %add3A_5, %div3A : i32
    %while3A = arith.constant 16 : i32
    %while3A_7 = arith.constant 0 : i32
    %while3A_8 = arith.subi %div3A_6, %while3A_7 : i32
    %while3A_9 = arith.addi %while3A_7, %while3A_8 : i32
    %while3A_10 = arith.constant 1 : i32
    %while3A_11 = arith.divsi %while3A_8, %while3A_10 : i32
    %while3A_12 = arith.muli %while3A_11, %while3A_10 : i32
    %while3A_13 = arith.addi %while3A_7, %while3A_12 : i32
    %while3A_14 = arith.constant 1 : i32
    scf.for %while3A_39 = %while3A_7 to %while3A_13 step %while3A_14  : i32 {
      %mul3A_40 = arith.muli %while3A_39, %while3A : i32
      %add3A_41 = arith.addi %arg1, %mul3A_40 : i32
      %mul3A_42 = arith.constant 128 : i32
      %mul3A_43 = arith.muli %add3A_41, %mul3A_42 : i32
      "tpu.region"() ({
        %run_scoped3A = tpu.sem_alloc : memref<!tpu.dma_semaphore, #tpu.memory_space<semaphore_mem>>
        %dma_start3A = arith.constant 0 : i32
        %dma_start3A_44 = tpu.memref_slice %arg8[%mul3A_43, %dma_start3A] : memref<10240x16xf32, #tpu.memory_space<vmem_shared>> -> memref<128x16xf32, #tpu.memory_space<vmem_shared>>
        %dma_start3A_45 = arith.constant 0 : i32
        %dma_start3A_46 = tpu.memref_slice %arg8[%mul3A_43, %dma_start3A_45] : memref<10240x16xf32, #tpu.memory_space<vmem_shared>> -> memref<128x16xf32, #tpu.memory_space<vmem_shared>>
        tpu.enqueue_dma source(%arg7 : memref<128x16xf32, #tpu.memory_space<vmem>>) target(%dma_start3A_46 : memref<128x16xf32, #tpu.memory_space<vmem_shared>>) target_semaphore(%run_scoped3A : memref<!tpu.dma_semaphore, #tpu.memory_space<semaphore_mem>>)
        %dma_wait3A = arith.constant 0 : i32
        %dma_wait3A_47 = tpu.memref_slice %arg8[%mul3A_43, %dma_wait3A] : memref<10240x16xf32, #tpu.memory_space<vmem_shared>> -> memref<128x16xf32, #tpu.memory_space<vmem_shared>>
        %dma_wait3A_48 = arith.constant 0 : i32
        %dma_wait3A_49 = tpu.memref_slice %arg8[%mul3A_43, %dma_wait3A_48] : memref<10240x16xf32, #tpu.memory_space<vmem_shared>> -> memref<128x16xf32, #tpu.memory_space<vmem_shared>>
        tpu.wait_dma2 semaphore(%run_scoped3A : memref<!tpu.dma_semaphore, #tpu.memory_space<semaphore_mem>>) src(%arg7 : memref<128x16xf32, #tpu.memory_space<vmem>>) dst(%dma_wait3A_49 : memref<128x16xf32, #tpu.memory_space<vmem_shared>>)
        tpu.yield
      }) : () -> ()
    }
    %while3A_15 = arith.constant 1 : i32
    scf.for %while3A_39 = %while3A_13 to %while3A_9 step %while3A_15  : i32 {
      %mul3A_40 = arith.muli %while3A_39, %while3A : i32
      %add3A_41 = arith.addi %arg1, %mul3A_40 : i32
      %mul3A_42 = arith.constant 128 : i32
      %mul3A_43 = arith.muli %add3A_41, %mul3A_42 : i32
      "tpu.region"() ({
        %run_scoped3A = tpu.sem_alloc : memref<!tpu.dma_semaphore, #tpu.memory_space<semaphore_mem>>
        %dma_start3A = arith.constant 0 : i32
        %dma_start3A_44 = tpu.memref_slice %arg8[%mul3A_43, %dma_start3A] : memref<10240x16xf32, #tpu.memory_space<vmem_shared>> -> memref<128x16xf32, #tpu.memory_space<vmem_shared>>
        %dma_start3A_45 = arith.constant 0 : i32
        %dma_start3A_46 = tpu.memref_slice %arg8[%mul3A_43, %dma_start3A_45] : memref<10240x16xf32, #tpu.memory_space<vmem_shared>> -> memref<128x16xf32, #tpu.memory_space<vmem_shared>>
        tpu.enqueue_dma source(%arg7 : memref<128x16xf32, #tpu.memory_space<vmem>>) target(%dma_start3A_46 : memref<128x16xf32, #tpu.memory_space<vmem_shared>>) target_semaphore(%run_scoped3A : memref<!tpu.dma_semaphore, #tpu.memory_space<semaphore_mem>>)
        %dma_wait3A = arith.constant 0 : i32
        %dma_wait3A_47 = tpu.memref_slice %arg8[%mul3A_43, %dma_wait3A] : memref<10240x16xf32, #tpu.memory_space<vmem_shared>> -> memref<128x16xf32, #tpu.memory_space<vmem_shared>>
        %dma_wait3A_48 = arith.constant 0 : i32
        %dma_wait3A_49 = tpu.memref_slice %arg8[%mul3A_43, %dma_wait3A_48] : memref<10240x16xf32, #tpu.memory_space<vmem_shared>> -> memref<128x16xf32, #tpu.memory_space<vmem_shared>>
        tpu.wait_dma2 semaphore(%run_scoped3A : memref<!tpu.dma_semaphore, #tpu.memory_space<semaphore_mem>>) src(%arg7 : memref<128x16xf32, #tpu.memory_space<vmem>>) dst(%dma_wait3A_49 : memref<128x16xf32, #tpu.memory_space<vmem_shared>>)
        tpu.yield
      }) : () -> ()
    }
    "tpu.region"() ({
      %run_scoped3A = tpu.sem_alloc : memref<!tpu.dma_semaphore, #tpu.memory_space<semaphore_mem>>
      tpu.enqueue_dma source(%arg4 : memref<128x16xf32, #tpu.memory_space<hbm>>) target(%arg7 : memref<128x16xf32, #tpu.memory_space<vmem>>) target_semaphore(%run_scoped3A : memref<!tpu.dma_semaphore, #tpu.memory_space<semaphore_mem>>)
      tpu.wait_dma2 semaphore(%run_scoped3A : memref<!tpu.dma_semaphore, #tpu.memory_space<semaphore_mem>>) src(%arg4 : memref<128x16xf32, #tpu.memory_space<hbm>>) dst(%arg7 : memref<128x16xf32, #tpu.memory_space<vmem>>)
      tpu.yield
    }) : () -> ()
    %barrier3A = arith.constant 0 : index
    tpu.barrier barrier_id(%barrier3A)
    %scan3A = arith.constant 0 : i32
    %scan3A_16 = arith.constant 10 : i32
    %scan3A_17 = arith.addi %scan3A, %scan3A_16 : i32
    %scan3A_18 = arith.constant 1 : i32
    scf.for %scan3A_39 = %scan3A to %scan3A_17 step %scan3A_18  : i32 {
      %mul3A_40 = arith.constant 1 : i32
      %mul3A_41 = arith.muli %scan3A_39, %mul3A_40 : i32
      %add3A_42 = arith.constant 0 : i32
      %add3A_43 = arith.addi %add3A_42, %mul3A_41 : i32
      %mul3A_44 = arith.constant 8 : i32
      %mul3A_45 = arith.muli %add3A_43, %mul3A_44 : i32
      %add3A_46 = arith.constant 0 : i32
      %add3A_47 = arith.addi %mul3A_45, %add3A_46 : i32
      %dma_start3A = arith.constant 0 : i32
      %dma_start3A_48 = tpu.memref_slice %arg6[%add3A_47, %dma_start3A] : memref<80x128xi32, #tpu.memory_space<vmem>> -> memref<1x128xi32, #tpu.memory_space<vmem>>
      %dma_start3A_49 = tpu.memref_squeeze %dma_start3A_48 : memref<1x128xi32, #tpu.memory_space<vmem>> -> memref<128xi32, #tpu.memory_space<vmem>>
      %dma_start3A_50 = arith.constant 0 : i32
      %dma_start3A_51 = arith.constant 0 : i32
      %dma_start3A_52 = tpu.memref_slice %arg8[%dma_start3A_50, %dma_start3A_51] : memref<10240x16xf32, #tpu.memory_space<vmem_shared>> -> memref<10240x16xf32, #tpu.memory_space<vmem_shared>>
      tpu.enqueue_indirect_dma source(%arg7 : memref<128x16xf32, #tpu.memory_space<vmem>>) target(%dma_start3A_52 : memref<10240x16xf32, #tpu.memory_space<vmem_shared>>) offsets(%dma_start3A_49 : memref<128xi32, #tpu.memory_space<vmem>>) semaphore(%arg9 : memref<!tpu.dma_semaphore, #tpu.memory_space<semaphore_mem>>) {add = true}
      %mul3A_53 = arith.constant 8 : i32
      %mul3A_54 = arith.muli %add3A_43, %mul3A_53 : i32
      %add3A_55 = arith.constant 1 : i32
      %add3A_56 = arith.addi %mul3A_54, %add3A_55 : i32
      %dma_start3A_57 = arith.constant 0 : i32
      %dma_start3A_58 = tpu.memref_slice %arg6[%add3A_56, %dma_start3A_57] : memref<80x128xi32, #tpu.memory_space<vmem>> -> memref<1x128xi32, #tpu.memory_space<vmem>>
      %dma_start3A_59 = tpu.memref_squeeze %dma_start3A_58 : memref<1x128xi32, #tpu.memory_space<vmem>> -> memref<128xi32, #tpu.memory_space<vmem>>
      %dma_start3A_60 = arith.constant 0 : i32
      %dma_start3A_61 = arith.constant 0 : i32
      %dma_start3A_62 = tpu.memref_slice %arg8[%dma_start3A_60, %dma_start3A_61] : memref<10240x16xf32, #tpu.memory_space<vmem_shared>> -> memref<10240x16xf32, #tpu.memory_space<vmem_shared>>
      tpu.enqueue_indirect_dma source(%arg7 : memref<128x16xf32, #tpu.memory_space<vmem>>) target(%dma_start3A_62 : memref<10240x16xf32, #tpu.memory_space<vmem_shared>>) offsets(%dma_start3A_59 : memref<128xi32, #tpu.memory_space<vmem>>) semaphore(%arg9 : memref<!tpu.dma_semaphore, #tpu.memory_space<semaphore_mem>>) {add = true}
      %mul3A_63 = arith.constant 8 : i32
      %mul3A_64 = arith.muli %add3A_43, %mul3A_63 : i32
      %add3A_65 = arith.constant 2 : i32
      %add3A_66 = arith.addi %mul3A_64, %add3A_65 : i32
      %dma_start3A_67 = arith.constant 0 : i32
      %dma_start3A_68 = tpu.memref_slice %arg6[%add3A_66, %dma_start3A_67] : memref<80x128xi32, #tpu.memory_space<vmem>> -> memref<1x128xi32, #tpu.memory_space<vmem>>
      %dma_start3A_69 = tpu.memref_squeeze %dma_start3A_68 : memref<1x128xi32, #tpu.memory_space<vmem>> -> memref<128xi32, #tpu.memory_space<vmem>>
      %dma_start3A_70 = arith.constant 0 : i32
      %dma_start3A_71 = arith.constant 0 : i32
      %dma_start3A_72 = tpu.memref_slice %arg8[%dma_start3A_70, %dma_start3A_71] : memref<10240x16xf32, #tpu.memory_space<vmem_shared>> -> memref<10240x16xf32, #tpu.memory_space<vmem_shared>>
      tpu.enqueue_indirect_dma source(%arg7 : memref<128x16xf32, #tpu.memory_space<vmem>>) target(%dma_start3A_72 : memref<10240x16xf32, #tpu.memory_space<vmem_shared>>) offsets(%dma_start3A_69 : memref<128xi32, #tpu.memory_space<vmem>>) semaphore(%arg9 : memref<!tpu.dma_semaphore, #tpu.memory_space<semaphore_mem>>) {add = true}
      %mul3A_73 = arith.constant 8 : i32
      %mul3A_74 = arith.muli %add3A_43, %mul3A_73 : i32
      %add3A_75 = arith.constant 3 : i32
      %add3A_76 = arith.addi %mul3A_74, %add3A_75 : i32
      %dma_start3A_77 = arith.constant 0 : i32
      %dma_start3A_78 = tpu.memref_slice %arg6[%add3A_76, %dma_start3A_77] : memref<80x128xi32, #tpu.memory_space<vmem>> -> memref<1x128xi32, #tpu.memory_space<vmem>>
      %dma_start3A_79 = tpu.memref_squeeze %dma_start3A_78 : memref<1x128xi32, #tpu.memory_space<vmem>> -> memref<128xi32, #tpu.memory_space<vmem>>
      %dma_start3A_80 = arith.constant 0 : i32
      %dma_start3A_81 = arith.constant 0 : i32
      %dma_start3A_82 = tpu.memref_slice %arg8[%dma_start3A_80, %dma_start3A_81] : memref<10240x16xf32, #tpu.memory_space<vmem_shared>> -> memref<10240x16xf32, #tpu.memory_space<vmem_shared>>
      tpu.enqueue_indirect_dma source(%arg7 : memref<128x16xf32, #tpu.memory_space<vmem>>) target(%dma_start3A_82 : memref<10240x16xf32, #tpu.memory_space<vmem_shared>>) offsets(%dma_start3A_79 : memref<128xi32, #tpu.memory_space<vmem>>) semaphore(%arg9 : memref<!tpu.dma_semaphore, #tpu.memory_space<semaphore_mem>>) {add = true}
      %mul3A_83 = arith.constant 8 : i32
      %mul3A_84 = arith.muli %add3A_43, %mul3A_83 : i32
      %add3A_85 = arith.constant 4 : i32
      %add3A_86 = arith.addi %mul3A_84, %add3A_85 : i32
      %dma_start3A_87 = arith.constant 0 : i32
      %dma_start3A_88 = tpu.memref_slice %arg6[%add3A_86, %dma_start3A_87] : memref<80x128xi32, #tpu.memory_space<vmem>> -> memref<1x128xi32, #tpu.memory_space<vmem>>
      %dma_start3A_89 = tpu.memref_squeeze %dma_start3A_88 : memref<1x128xi32, #tpu.memory_space<vmem>> -> memref<128xi32, #tpu.memory_space<vmem>>
      %dma_start3A_90 = arith.constant 0 : i32
      %dma_start3A_91 = arith.constant 0 : i32
      %dma_start3A_92 = tpu.memref_slice %arg8[%dma_start3A_90, %dma_start3A_91] : memref<10240x16xf32, #tpu.memory_space<vmem_shared>> -> memref<10240x16xf32, #tpu.memory_space<vmem_shared>>
      tpu.enqueue_indirect_dma source(%arg7 : memref<128x16xf32, #tpu.memory_space<vmem>>) target(%dma_start3A_92 : memref<10240x16xf32, #tpu.memory_space<vmem_shared>>) offsets(%dma_start3A_89 : memref<128xi32, #tpu.memory_space<vmem>>) semaphore(%arg9 : memref<!tpu.dma_semaphore, #tpu.memory_space<semaphore_mem>>) {add = true}
      %mul3A_93 = arith.constant 8 : i32
      %mul3A_94 = arith.muli %add3A_43, %mul3A_93 : i32
      %add3A_95 = arith.constant 5 : i32
      %add3A_96 = arith.addi %mul3A_94, %add3A_95 : i32
      %dma_start3A_97 = arith.constant 0 : i32
      %dma_start3A_98 = tpu.memref_slice %arg6[%add3A_96, %dma_start3A_97] : memref<80x128xi32, #tpu.memory_space<vmem>> -> memref<1x128xi32, #tpu.memory_space<vmem>>
      %dma_start3A_99 = tpu.memref_squeeze %dma_start3A_98 : memref<1x128xi32, #tpu.memory_space<vmem>> -> memref<128xi32, #tpu.memory_space<vmem>>
      %dma_start3A_100 = arith.constant 0 : i32
      %dma_start3A_101 = arith.constant 0 : i32
      %dma_start3A_102 = tpu.memref_slice %arg8[%dma_start3A_100, %dma_start3A_101] : memref<10240x16xf32, #tpu.memory_space<vmem_shared>> -> memref<10240x16xf32, #tpu.memory_space<vmem_shared>>
      tpu.enqueue_indirect_dma source(%arg7 : memref<128x16xf32, #tpu.memory_space<vmem>>) target(%dma_start3A_102 : memref<10240x16xf32, #tpu.memory_space<vmem_shared>>) offsets(%dma_start3A_99 : memref<128xi32, #tpu.memory_space<vmem>>) semaphore(%arg9 : memref<!tpu.dma_semaphore, #tpu.memory_space<semaphore_mem>>) {add = true}
      %mul3A_103 = arith.constant 8 : i32
      %mul3A_104 = arith.muli %add3A_43, %mul3A_103 : i32
      %add3A_105 = arith.constant 6 : i32
      %add3A_106 = arith.addi %mul3A_104, %add3A_105 : i32
      %dma_start3A_107 = arith.constant 0 : i32
      %dma_start3A_108 = tpu.memref_slice %arg6[%add3A_106, %dma_start3A_107] : memref<80x128xi32, #tpu.memory_space<vmem>> -> memref<1x128xi32, #tpu.memory_space<vmem>>
      %dma_start3A_109 = tpu.memref_squeeze %dma_start3A_108 : memref<1x128xi32, #tpu.memory_space<vmem>> -> memref<128xi32, #tpu.memory_space<vmem>>
      %dma_start3A_110 = arith.constant 0 : i32
      %dma_start3A_111 = arith.constant 0 : i32
      %dma_start3A_112 = tpu.memref_slice %arg8[%dma_start3A_110, %dma_start3A_111] : memref<10240x16xf32, #tpu.memory_space<vmem_shared>> -> memref<10240x16xf32, #tpu.memory_space<vmem_shared>>
      tpu.enqueue_indirect_dma source(%arg7 : memref<128x16xf32, #tpu.memory_space<vmem>>) target(%dma_start3A_112 : memref<10240x16xf32, #tpu.memory_space<vmem_shared>>) offsets(%dma_start3A_109 : memref<128xi32, #tpu.memory_space<vmem>>) semaphore(%arg9 : memref<!tpu.dma_semaphore, #tpu.memory_space<semaphore_mem>>) {add = true}
      %mul3A_113 = arith.constant 8 : i32
      %mul3A_114 = arith.muli %add3A_43, %mul3A_113 : i32
      %add3A_115 = arith.constant 7 : i32
      %add3A_116 = arith.addi %mul3A_114, %add3A_115 : i32
      %dma_start3A_117 = arith.constant 0 : i32
      %dma_start3A_118 = tpu.memref_slice %arg6[%add3A_116, %dma_start3A_117] : memref<80x128xi32, #tpu.memory_space<vmem>> -> memref<1x128xi32, #tpu.memory_space<vmem>>
      %dma_start3A_119 = tpu.memref_squeeze %dma_start3A_118 : memref<1x128xi32, #tpu.memory_space<vmem>> -> memref<128xi32, #tpu.memory_space<vmem>>
      %dma_start3A_120 = arith.constant 0 : i32
      %dma_start3A_121 = arith.constant 0 : i32
      %dma_start3A_122 = tpu.memref_slice %arg8[%dma_start3A_120, %dma_start3A_121] : memref<10240x16xf32, #tpu.memory_space<vmem_shared>> -> memref<10240x16xf32, #tpu.memory_space<vmem_shared>>
      tpu.enqueue_indirect_dma source(%arg7 : memref<128x16xf32, #tpu.memory_space<vmem>>) target(%dma_start3A_122 : memref<10240x16xf32, #tpu.memory_space<vmem_shared>>) offsets(%dma_start3A_119 : memref<128xi32, #tpu.memory_space<vmem>>) semaphore(%arg9 : memref<!tpu.dma_semaphore, #tpu.memory_space<semaphore_mem>>) {add = true}
      %mul3A_123 = arith.constant 8 : i32
      %mul3A_124 = arith.muli %add3A_43, %mul3A_123 : i32
      %add3A_125 = arith.constant 0 : i32
      %add3A_126 = arith.addi %mul3A_124, %add3A_125 : i32
      %dma_wait3A = arith.constant 0 : i32
      %dma_wait3A_127 = tpu.memref_slice %arg6[%add3A_126, %dma_wait3A] : memref<80x128xi32, #tpu.memory_space<vmem>> -> memref<1x128xi32, #tpu.memory_space<vmem>>
      %dma_wait3A_128 = tpu.memref_squeeze %dma_wait3A_127 : memref<1x128xi32, #tpu.memory_space<vmem>> -> memref<128xi32, #tpu.memory_space<vmem>>
      %dma_wait3A_129 = arith.constant 0 : i32
      %dma_wait3A_130 = arith.constant 0 : i32
      %dma_wait3A_131 = tpu.memref_slice %arg8[%dma_wait3A_129, %dma_wait3A_130] : memref<10240x16xf32, #tpu.memory_space<vmem_shared>> -> memref<10240x16xf32, #tpu.memory_space<vmem_shared>>
      tpu.wait_indirect_dma semaphore(%arg9 : memref<!tpu.dma_semaphore, #tpu.memory_space<semaphore_mem>>) src(%arg7 : memref<128x16xf32, #tpu.memory_space<vmem>>) dst(%dma_wait3A_131 : memref<10240x16xf32, #tpu.memory_space<vmem_shared>>)
      %mul3A_132 = arith.constant 8 : i32
      %mul3A_133 = arith.muli %add3A_43, %mul3A_132 : i32
      %add3A_134 = arith.constant 1 : i32
      %add3A_135 = arith.addi %mul3A_133, %add3A_134 : i32
      %dma_wait3A_136 = arith.constant 0 : i32
      %dma_wait3A_137 = tpu.memref_slice %arg6[%add3A_135, %dma_wait3A_136] : memref<80x128xi32, #tpu.memory_space<vmem>> -> memref<1x128xi32, #tpu.memory_space<vmem>>
      %dma_wait3A_138 = tpu.memref_squeeze %dma_wait3A_137 : memref<1x128xi32, #tpu.memory_space<vmem>> -> memref<128xi32, #tpu.memory_space<vmem>>
      %dma_wait3A_139 = arith.constant 0 : i32
      %dma_wait3A_140 = arith.constant 0 : i32
      %dma_wait3A_141 = tpu.memref_slice %arg8[%dma_wait3A_139, %dma_wait3A_140] : memref<10240x16xf32, #tpu.memory_space<vmem_shared>> -> memref<10240x16xf32, #tpu.memory_space<vmem_shared>>
      tpu.wait_indirect_dma semaphore(%arg9 : memref<!tpu.dma_semaphore, #tpu.memory_space<semaphore_mem>>) src(%arg7 : memref<128x16xf32, #tpu.memory_space<vmem>>) dst(%dma_wait3A_141 : memref<10240x16xf32, #tpu.memory_space<vmem_shared>>)
      %mul3A_142 = arith.constant 8 : i32
      %mul3A_143 = arith.muli %add3A_43, %mul3A_142 : i32
      %add3A_144 = arith.constant 2 : i32
      %add3A_145 = arith.addi %mul3A_143, %add3A_144 : i32
      %dma_wait3A_146 = arith.constant 0 : i32
      %dma_wait3A_147 = tpu.memref_slice %arg6[%add3A_145, %dma_wait3A_146] : memref<80x128xi32, #tpu.memory_space<vmem>> -> memref<1x128xi32, #tpu.memory_space<vmem>>
      %dma_wait3A_148 = tpu.memref_squeeze %dma_wait3A_147 : memref<1x128xi32, #tpu.memory_space<vmem>> -> memref<128xi32, #tpu.memory_space<vmem>>
      %dma_wait3A_149 = arith.constant 0 : i32
      %dma_wait3A_150 = arith.constant 0 : i32
      %dma_wait3A_151 = tpu.memref_slice %arg8[%dma_wait3A_149, %dma_wait3A_150] : memref<10240x16xf32, #tpu.memory_space<vmem_shared>> -> memref<10240x16xf32, #tpu.memory_space<vmem_shared>>
      tpu.wait_indirect_dma semaphore(%arg9 : memref<!tpu.dma_semaphore, #tpu.memory_space<semaphore_mem>>) src(%arg7 : memref<128x16xf32, #tpu.memory_space<vmem>>) dst(%dma_wait3A_151 : memref<10240x16xf32, #tpu.memory_space<vmem_shared>>)
      %mul3A_152 = arith.constant 8 : i32
      %mul3A_153 = arith.muli %add3A_43, %mul3A_152 : i32
      %add3A_154 = arith.constant 3 : i32
      %add3A_155 = arith.addi %mul3A_153, %add3A_154 : i32
      %dma_wait3A_156 = arith.constant 0 : i32
      %dma_wait3A_157 = tpu.memref_slice %arg6[%add3A_155, %dma_wait3A_156] : memref<80x128xi32, #tpu.memory_space<vmem>> -> memref<1x128xi32, #tpu.memory_space<vmem>>
      %dma_wait3A_158 = tpu.memref_squeeze %dma_wait3A_157 : memref<1x128xi32, #tpu.memory_space<vmem>> -> memref<128xi32, #tpu.memory_space<vmem>>
      %dma_wait3A_159 = arith.constant 0 : i32
      %dma_wait3A_160 = arith.constant 0 : i32
      %dma_wait3A_161 = tpu.memref_slice %arg8[%dma_wait3A_159, %dma_wait3A_160] : memref<10240x16xf32, #tpu.memory_space<vmem_shared>> -> memref<10240x16xf32, #tpu.memory_space<vmem_shared>>
      tpu.wait_indirect_dma semaphore(%arg9 : memref<!tpu.dma_semaphore, #tpu.memory_space<semaphore_mem>>) src(%arg7 : memref<128x16xf32, #tpu.memory_space<vmem>>) dst(%dma_wait3A_161 : memref<10240x16xf32, #tpu.memory_space<vmem_shared>>)
      %mul3A_162 = arith.constant 8 : i32
      %mul3A_163 = arith.muli %add3A_43, %mul3A_162 : i32
      %add3A_164 = arith.constant 4 : i32
      %add3A_165 = arith.addi %mul3A_163, %add3A_164 : i32
      %dma_wait3A_166 = arith.constant 0 : i32
      %dma_wait3A_167 = tpu.memref_slice %arg6[%add3A_165, %dma_wait3A_166] : memref<80x128xi32, #tpu.memory_space<vmem>> -> memref<1x128xi32, #tpu.memory_space<vmem>>
      %dma_wait3A_168 = tpu.memref_squeeze %dma_wait3A_167 : memref<1x128xi32, #tpu.memory_space<vmem>> -> memref<128xi32, #tpu.memory_space<vmem>>
      %dma_wait3A_169 = arith.constant 0 : i32
      %dma_wait3A_170 = arith.constant 0 : i32
      %dma_wait3A_171 = tpu.memref_slice %arg8[%dma_wait3A_169, %dma_wait3A_170] : memref<10240x16xf32, #tpu.memory_space<vmem_shared>> -> memref<10240x16xf32, #tpu.memory_space<vmem_shared>>
      tpu.wait_indirect_dma semaphore(%arg9 : memref<!tpu.dma_semaphore, #tpu.memory_space<semaphore_mem>>) src(%arg7 : memref<128x16xf32, #tpu.memory_space<vmem>>) dst(%dma_wait3A_171 : memref<10240x16xf32, #tpu.memory_space<vmem_shared>>)
      %mul3A_172 = arith.constant 8 : i32
      %mul3A_173 = arith.muli %add3A_43, %mul3A_172 : i32
      %add3A_174 = arith.constant 5 : i32
      %add3A_175 = arith.addi %mul3A_173, %add3A_174 : i32
      %dma_wait3A_176 = arith.constant 0 : i32
      %dma_wait3A_177 = tpu.memref_slice %arg6[%add3A_175, %dma_wait3A_176] : memref<80x128xi32, #tpu.memory_space<vmem>> -> memref<1x128xi32, #tpu.memory_space<vmem>>
      %dma_wait3A_178 = tpu.memref_squeeze %dma_wait3A_177 : memref<1x128xi32, #tpu.memory_space<vmem>> -> memref<128xi32, #tpu.memory_space<vmem>>
      %dma_wait3A_179 = arith.constant 0 : i32
      %dma_wait3A_180 = arith.constant 0 : i32
      %dma_wait3A_181 = tpu.memref_slice %arg8[%dma_wait3A_179, %dma_wait3A_180] : memref<10240x16xf32, #tpu.memory_space<vmem_shared>> -> memref<10240x16xf32, #tpu.memory_space<vmem_shared>>
      tpu.wait_indirect_dma semaphore(%arg9 : memref<!tpu.dma_semaphore, #tpu.memory_space<semaphore_mem>>) src(%arg7 : memref<128x16xf32, #tpu.memory_space<vmem>>) dst(%dma_wait3A_181 : memref<10240x16xf32, #tpu.memory_space<vmem_shared>>)
      %mul3A_182 = arith.constant 8 : i32
      %mul3A_183 = arith.muli %add3A_43, %mul3A_182 : i32
      %add3A_184 = arith.constant 6 : i32
      %add3A_185 = arith.addi %mul3A_183, %add3A_184 : i32
      %dma_wait3A_186 = arith.constant 0 : i32
      %dma_wait3A_187 = tpu.memref_slice %arg6[%add3A_185, %dma_wait3A_186] : memref<80x128xi32, #tpu.memory_space<vmem>> -> memref<1x128xi32, #tpu.memory_space<vmem>>
      %dma_wait3A_188 = tpu.memref_squeeze %dma_wait3A_187 : memref<1x128xi32, #tpu.memory_space<vmem>> -> memref<128xi32, #tpu.memory_space<vmem>>
      %dma_wait3A_189 = arith.constant 0 : i32
      %dma_wait3A_190 = arith.constant 0 : i32
      %dma_wait3A_191 = tpu.memref_slice %arg8[%dma_wait3A_189, %dma_wait3A_190] : memref<10240x16xf32, #tpu.memory_space<vmem_shared>> -> memref<10240x16xf32, #tpu.memory_space<vmem_shared>>
      tpu.wait_indirect_dma semaphore(%arg9 : memref<!tpu.dma_semaphore, #tpu.memory_space<semaphore_mem>>) src(%arg7 : memref<128x16xf32, #tpu.memory_space<vmem>>) dst(%dma_wait3A_191 : memref<10240x16xf32, #tpu.memory_space<vmem_shared>>)
      %mul3A_192 = arith.constant 8 : i32
      %mul3A_193 = arith.muli %add3A_43, %mul3A_192 : i32
      %add3A_194 = arith.constant 7 : i32
      %add3A_195 = arith.addi %mul3A_193, %add3A_194 : i32
      %dma_wait3A_196 = arith.constant 0 : i32
      %dma_wait3A_197 = tpu.memref_slice %arg6[%add3A_195, %dma_wait3A_196] : memref<80x128xi32, #tpu.memory_space<vmem>> -> memref<1x128xi32, #tpu.memory_space<vmem>>
      %dma_wait3A_198 = tpu.memref_squeeze %dma_wait3A_197 : memref<1x128xi32, #tpu.memory_space<vmem>> -> memref<128xi32, #tpu.memory_space<vmem>>
      %dma_wait3A_199 = arith.constant 0 : i32
      %dma_wait3A_200 = arith.constant 0 : i32
      %dma_wait3A_201 = tpu.memref_slice %arg8[%dma_wait3A_199, %dma_wait3A_200] : memref<10240x16xf32, #tpu.memory_space<vmem_shared>> -> memref<10240x16xf32, #tpu.memory_space<vmem_shared>>
      tpu.wait_indirect_dma semaphore(%arg9 : memref<!tpu.dma_semaphore, #tpu.memory_space<semaphore_mem>>) src(%arg7 : memref<128x16xf32, #tpu.memory_space<vmem>>) dst(%dma_wait3A_201 : memref<10240x16xf32, #tpu.memory_space<vmem_shared>>)
    }
    %scan3A_19 = arith.constant 10 : i32
    %barrier3A_20 = arith.constant 0 : index
    tpu.barrier barrier_id(%barrier3A_20)
    %sub3A_21 = arith.constant 80 : i32
    %sub3A_22 = arith.subi %sub3A_21, %arg1 : i32
    %sub3A_23 = arith.constant 16 : i32
    %sub3A_24 = arith.constant 1 : i32
    %sub3A_25 = arith.subi %sub3A_23, %sub3A_24 : i32
    %add3A_26 = arith.addi %sub3A_22, %sub3A_25 : i32
    %div3A_27 = arith.constant 16 : i32
    %div3A_28 = arith.divsi %add3A_26, %div3A_27 : i32
    %while3A_29 = arith.constant 16 : i32
    %while3A_30 = arith.constant 0 : i32
    %while3A_31 = arith.subi %div3A_28, %while3A_30 : i32
    %while3A_32 = arith.addi %while3A_30, %while3A_31 : i32
    %while3A_33 = arith.constant 1 : i32
    %while3A_34 = arith.divsi %while3A_31, %while3A_33 : i32
    %while3A_35 = arith.muli %while3A_34, %while3A_33 : i32
    %while3A_36 = arith.addi %while3A_30, %while3A_35 : i32
    %while3A_37 = arith.constant 1 : i32
    scf.for %while3A_39 = %while3A_30 to %while3A_36 step %while3A_37  : i32 {
      %mul3A_40 = arith.muli %while3A_39, %while3A_29 : i32
      %add3A_41 = arith.addi %arg1, %mul3A_40 : i32
      %mul3A_42 = arith.constant 128 : i32
      %mul3A_43 = arith.muli %add3A_41, %mul3A_42 : i32
      "tpu.region"() ({
        %run_scoped3A = tpu.sem_alloc : memref<!tpu.dma_semaphore, #tpu.memory_space<semaphore_mem>>
        %dma_start3A = arith.constant 0 : i32
        %dma_start3A_44 = tpu.memref_slice %arg8[%mul3A_43, %dma_start3A] : memref<10240x16xf32, #tpu.memory_space<vmem_shared>> -> memref<128x16xf32, #tpu.memory_space<vmem_shared>>
        %dma_start3A_45 = arith.constant 0 : i32
        %dma_start3A_46 = tpu.memref_slice %arg8[%mul3A_43, %dma_start3A_45] : memref<10240x16xf32, #tpu.memory_space<vmem_shared>> -> memref<128x16xf32, #tpu.memory_space<vmem_shared>>
        tpu.enqueue_dma source(%dma_start3A_46 : memref<128x16xf32, #tpu.memory_space<vmem_shared>>) target(%arg7 : memref<128x16xf32, #tpu.memory_space<vmem>>) target_semaphore(%run_scoped3A : memref<!tpu.dma_semaphore, #tpu.memory_space<semaphore_mem>>)
        %dma_wait3A = arith.constant 0 : i32
        %dma_wait3A_47 = tpu.memref_slice %arg8[%mul3A_43, %dma_wait3A] : memref<10240x16xf32, #tpu.memory_space<vmem_shared>> -> memref<128x16xf32, #tpu.memory_space<vmem_shared>>
        %dma_wait3A_48 = arith.constant 0 : i32
        %dma_wait3A_49 = tpu.memref_slice %arg8[%mul3A_43, %dma_wait3A_48] : memref<10240x16xf32, #tpu.memory_space<vmem_shared>> -> memref<128x16xf32, #tpu.memory_space<vmem_shared>>
        tpu.wait_dma2 semaphore(%run_scoped3A : memref<!tpu.dma_semaphore, #tpu.memory_space<semaphore_mem>>) src(%dma_wait3A_49 : memref<128x16xf32, #tpu.memory_space<vmem_shared>>) dst(%arg7 : memref<128x16xf32, #tpu.memory_space<vmem>>)
        tpu.yield
      }) : () -> ()
      "tpu.region"() ({
        %run_scoped3A = tpu.sem_alloc : memref<!tpu.dma_semaphore, #tpu.memory_space<semaphore_mem>>
        %dma_start3A = arith.constant 0 : i32
        %dma_start3A_44 = tpu.memref_slice %arg5[%arg0, %mul3A_43, %dma_start3A] : memref<2x10240x16xf32, #tpu.memory_space<hbm>> -> memref<1x128x16xf32, #tpu.memory_space<hbm>>
        %dma_start3A_45 = tpu.memref_squeeze %dma_start3A_44 : memref<1x128x16xf32, #tpu.memory_space<hbm>> -> memref<128x16xf32, #tpu.memory_space<hbm>>
        %dma_start3A_46 = arith.constant 0 : i32
        %dma_start3A_47 = tpu.memref_slice %arg5[%arg0, %mul3A_43, %dma_start3A_46] : memref<2x10240x16xf32, #tpu.memory_space<hbm>> -> memref<1x128x16xf32, #tpu.memory_space<hbm>>
        %dma_start3A_48 = tpu.memref_squeeze %dma_start3A_47 : memref<1x128x16xf32, #tpu.memory_space<hbm>> -> memref<128x16xf32, #tpu.memory_space<hbm>>
        tpu.enqueue_dma source(%arg7 : memref<128x16xf32, #tpu.memory_space<vmem>>) target(%dma_start3A_48 : memref<128x16xf32, #tpu.memory_space<hbm>>) target_semaphore(%run_scoped3A : memref<!tpu.dma_semaphore, #tpu.memory_space<semaphore_mem>>)
        %dma_wait3A = arith.constant 0 : i32
        %dma_wait3A_49 = tpu.memref_slice %arg5[%arg0, %mul3A_43, %dma_wait3A] : memref<2x10240x16xf32, #tpu.memory_space<hbm>> -> memref<1x128x16xf32, #tpu.memory_space<hbm>>
        %dma_wait3A_50 = tpu.memref_squeeze %dma_wait3A_49 : memref<1x128x16xf32, #tpu.memory_space<hbm>> -> memref<128x16xf32, #tpu.memory_space<hbm>>
        %dma_wait3A_51 = arith.constant 0 : i32
        %dma_wait3A_52 = tpu.memref_slice %arg5[%arg0, %mul3A_43, %dma_wait3A_51] : memref<2x10240x16xf32, #tpu.memory_space<hbm>> -> memref<1x128x16xf32, #tpu.memory_space<hbm>>
        %dma_wait3A_53 = tpu.memref_squeeze %dma_wait3A_52 : memref<1x128x16xf32, #tpu.memory_space<hbm>> -> memref<128x16xf32, #tpu.memory_space<hbm>>
        tpu.wait_dma2 semaphore(%run_scoped3A : memref<!tpu.dma_semaphore, #tpu.memory_space<semaphore_mem>>) src(%arg7 : memref<128x16xf32, #tpu.memory_space<vmem>>) dst(%dma_wait3A_53 : memref<128x16xf32, #tpu.memory_space<hbm>>)
        tpu.yield
      }) : () -> ()
    }
    %while3A_38 = arith.constant 1 : i32
    scf.for %while3A_39 = %while3A_36 to %while3A_32 step %while3A_38  : i32 {
      %mul3A_40 = arith.muli %while3A_39, %while3A_29 : i32
      %add3A_41 = arith.addi %arg1, %mul3A_40 : i32
      %mul3A_42 = arith.constant 128 : i32
      %mul3A_43 = arith.muli %add3A_41, %mul3A_42 : i32
      "tpu.region"() ({
        %run_scoped3A = tpu.sem_alloc : memref<!tpu.dma_semaphore, #tpu.memory_space<semaphore_mem>>
        %dma_start3A = arith.constant 0 : i32
        %dma_start3A_44 = tpu.memref_slice %arg8[%mul3A_43, %dma_start3A] : memref<10240x16xf32, #tpu.memory_space<vmem_shared>> -> memref<128x16xf32, #tpu.memory_space<vmem_shared>>
        %dma_start3A_45 = arith.constant 0 : i32
        %dma_start3A_46 = tpu.memref_slice %arg8[%mul3A_43, %dma_start3A_45] : memref<10240x16xf32, #tpu.memory_space<vmem_shared>> -> memref<128x16xf32, #tpu.memory_space<vmem_shared>>
        tpu.enqueue_dma source(%dma_start3A_46 : memref<128x16xf32, #tpu.memory_space<vmem_shared>>) target(%arg7 : memref<128x16xf32, #tpu.memory_space<vmem>>) target_semaphore(%run_scoped3A : memref<!tpu.dma_semaphore, #tpu.memory_space<semaphore_mem>>)
        %dma_wait3A = arith.constant 0 : i32
        %dma_wait3A_47 = tpu.memref_slice %arg8[%mul3A_43, %dma_wait3A] : memref<10240x16xf32, #tpu.memory_space<vmem_shared>> -> memref<128x16xf32, #tpu.memory_space<vmem_shared>>
        %dma_wait3A_48 = arith.constant 0 : i32
        %dma_wait3A_49 = tpu.memref_slice %arg8[%mul3A_43, %dma_wait3A_48] : memref<10240x16xf32, #tpu.memory_space<vmem_shared>> -> memref<128x16xf32, #tpu.memory_space<vmem_shared>>
        tpu.wait_dma2 semaphore(%run_scoped3A : memref<!tpu.dma_semaphore, #tpu.memory_space<semaphore_mem>>) src(%dma_wait3A_49 : memref<128x16xf32, #tpu.memory_space<vmem_shared>>) dst(%arg7 : memref<128x16xf32, #tpu.memory_space<vmem>>)
        tpu.yield
      }) : () -> ()
      "tpu.region"() ({
        %run_scoped3A = tpu.sem_alloc : memref<!tpu.dma_semaphore, #tpu.memory_space<semaphore_mem>>
        %dma_start3A = arith.constant 0 : i32
        %dma_start3A_44 = tpu.memref_slice %arg5[%arg0, %mul3A_43, %dma_start3A] : memref<2x10240x16xf32, #tpu.memory_space<hbm>> -> memref<1x128x16xf32, #tpu.memory_space<hbm>>
        %dma_start3A_45 = tpu.memref_squeeze %dma_start3A_44 : memref<1x128x16xf32, #tpu.memory_space<hbm>> -> memref<128x16xf32, #tpu.memory_space<hbm>>
        %dma_start3A_46 = arith.constant 0 : i32
        %dma_start3A_47 = tpu.memref_slice %arg5[%arg0, %mul3A_43, %dma_start3A_46] : memref<2x10240x16xf32, #tpu.memory_space<hbm>> -> memref<1x128x16xf32, #tpu.memory_space<hbm>>
        %dma_start3A_48 = tpu.memref_squeeze %dma_start3A_47 : memref<1x128x16xf32, #tpu.memory_space<hbm>> -> memref<128x16xf32, #tpu.memory_space<hbm>>
        tpu.enqueue_dma source(%arg7 : memref<128x16xf32, #tpu.memory_space<vmem>>) target(%dma_start3A_48 : memref<128x16xf32, #tpu.memory_space<hbm>>) target_semaphore(%run_scoped3A : memref<!tpu.dma_semaphore, #tpu.memory_space<semaphore_mem>>)
        %dma_wait3A = arith.constant 0 : i32
        %dma_wait3A_49 = tpu.memref_slice %arg5[%arg0, %mul3A_43, %dma_wait3A] : memref<2x10240x16xf32, #tpu.memory_space<hbm>> -> memref<1x128x16xf32, #tpu.memory_space<hbm>>
        %dma_wait3A_50 = tpu.memref_squeeze %dma_wait3A_49 : memref<1x128x16xf32, #tpu.memory_space<hbm>> -> memref<128x16xf32, #tpu.memory_space<hbm>>
        %dma_wait3A_51 = arith.constant 0 : i32
        %dma_wait3A_52 = tpu.memref_slice %arg5[%arg0, %mul3A_43, %dma_wait3A_51] : memref<2x10240x16xf32, #tpu.memory_space<hbm>> -> memref<1x128x16xf32, #tpu.memory_space<hbm>>
        %dma_wait3A_53 = tpu.memref_squeeze %dma_wait3A_52 : memref<1x128x16xf32, #tpu.memory_space<hbm>> -> memref<128x16xf32, #tpu.memory_space<hbm>>
        tpu.wait_dma2 semaphore(%run_scoped3A : memref<!tpu.dma_semaphore, #tpu.memory_space<semaphore_mem>>) src(%arg7 : memref<128x16xf32, #tpu.memory_space<vmem>>) dst(%dma_wait3A_53 : memref<128x16xf32, #tpu.memory_space<hbm>>)
        tpu.yield
      }) : () -> ()
    }
    return
  }
}

#map = affine_map<(d0, d1) -> (0, 0)>
#map1 = affine_map<(d0, d1) -> (0, 0, 0)>
module attributes {stable_mosaic.version = 14 : i64} {
  func.func @_sc_agg_body(%arg0: i32, %arg1: i32, %arg2: memref<10000x128xf32, #tpu.memory_space<hbm>>, %arg3: memref<32x80x128xi32, #tpu.memory_space<hbm>>, %arg4: memref<32x80x128xi32, #tpu.memory_space<hbm>>, %arg5: memref<128x128xf32, #tpu.memory_space<hbm>>, %arg6: memref<2x10240x128xf32, #tpu.memory_space<hbm>>, %arg7: memref<40x128xi32, #tpu.memory_space<vmem>>, %arg8: memref<40x128xi32, #tpu.memory_space<vmem>>, %arg9: memref<128x128xf32, #tpu.memory_space<vmem>>, %arg10: memref<128x128xf32, #tpu.memory_space<vmem>>, %arg11: memref<10240x128xf32, #tpu.memory_space<vmem_shared>>, %arg12: memref<!tpu.dma_semaphore, #tpu.memory_space<semaphore_mem>>, %arg13: memref<!tpu.dma_semaphore, #tpu.memory_space<semaphore_mem>>, %arg14: memref<!tpu.dma_semaphore, #tpu.memory_space<semaphore_mem>>, %arg15: memref<!tpu.dma_semaphore, #tpu.memory_space<semaphore_mem>>) attributes {dimension_semantics = [#tpu.dimension_semantics<core_parallel>, #tpu.dimension_semantics<subcore_parallel>], iteration_bounds = array<i64: 2, 16>, scalar_prefetch = 0 : i64, scratch_operands = 9 : i64, tpu.core_type = #tpu.core_type<sc_vector_subcore>, window_params = [{transform_indices = #map}, {transform_indices = #map1}, {transform_indices = #map1}, {transform_indices = #map}, {transform_indices = #map1}]} {
    %mul3A = arith.constant 2 : i32
    %mul3A_0 = arith.muli %arg1, %mul3A : i32
    %add3A = arith.addi %mul3A_0, %arg0 : i32
    "tpu.region"() ({
      %run_scoped3A = tpu.sem_alloc : memref<!tpu.dma_semaphore, #tpu.memory_space<semaphore_mem>>
      %dma_start3A_65 = arith.constant 0 : i32
      %dma_start3A_66 = arith.constant 0 : i32
      %dma_start3A_67 = tpu.memref_slice %arg3[%add3A, %dma_start3A_65, %dma_start3A_66] : memref<32x80x128xi32, #tpu.memory_space<hbm>> -> memref<1x40x128xi32, #tpu.memory_space<hbm>>
      %dma_start3A_68 = tpu.memref_squeeze %dma_start3A_67 : memref<1x40x128xi32, #tpu.memory_space<hbm>> -> memref<40x128xi32, #tpu.memory_space<hbm>>
      %dma_start3A_69 = arith.constant 0 : i32
      %dma_start3A_70 = arith.constant 0 : i32
      %dma_start3A_71 = tpu.memref_slice %arg3[%add3A, %dma_start3A_69, %dma_start3A_70] : memref<32x80x128xi32, #tpu.memory_space<hbm>> -> memref<1x40x128xi32, #tpu.memory_space<hbm>>
      %dma_start3A_72 = tpu.memref_squeeze %dma_start3A_71 : memref<1x40x128xi32, #tpu.memory_space<hbm>> -> memref<40x128xi32, #tpu.memory_space<hbm>>
      tpu.enqueue_dma source(%dma_start3A_72 : memref<40x128xi32, #tpu.memory_space<hbm>>) target(%arg7 : memref<40x128xi32, #tpu.memory_space<vmem>>) target_semaphore(%run_scoped3A : memref<!tpu.dma_semaphore, #tpu.memory_space<semaphore_mem>>)
      %dma_wait3A_73 = arith.constant 0 : i32
      %dma_wait3A_74 = arith.constant 0 : i32
      %dma_wait3A_75 = tpu.memref_slice %arg3[%add3A, %dma_wait3A_73, %dma_wait3A_74] : memref<32x80x128xi32, #tpu.memory_space<hbm>> -> memref<1x40x128xi32, #tpu.memory_space<hbm>>
      %dma_wait3A_76 = tpu.memref_squeeze %dma_wait3A_75 : memref<1x40x128xi32, #tpu.memory_space<hbm>> -> memref<40x128xi32, #tpu.memory_space<hbm>>
      %dma_wait3A_77 = arith.constant 0 : i32
      %dma_wait3A_78 = arith.constant 0 : i32
      %dma_wait3A_79 = tpu.memref_slice %arg3[%add3A, %dma_wait3A_77, %dma_wait3A_78] : memref<32x80x128xi32, #tpu.memory_space<hbm>> -> memref<1x40x128xi32, #tpu.memory_space<hbm>>
      %dma_wait3A_80 = tpu.memref_squeeze %dma_wait3A_79 : memref<1x40x128xi32, #tpu.memory_space<hbm>> -> memref<40x128xi32, #tpu.memory_space<hbm>>
      tpu.wait_dma2 semaphore(%run_scoped3A : memref<!tpu.dma_semaphore, #tpu.memory_space<semaphore_mem>>) src(%dma_wait3A_80 : memref<40x128xi32, #tpu.memory_space<hbm>>) dst(%arg7 : memref<40x128xi32, #tpu.memory_space<vmem>>)
      tpu.yield
    }) : () -> ()
    "tpu.region"() ({
      %run_scoped3A = tpu.sem_alloc : memref<!tpu.dma_semaphore, #tpu.memory_space<semaphore_mem>>
      %dma_start3A_65 = arith.constant 0 : i32
      %dma_start3A_66 = arith.constant 0 : i32
      %dma_start3A_67 = tpu.memref_slice %arg4[%add3A, %dma_start3A_65, %dma_start3A_66] : memref<32x80x128xi32, #tpu.memory_space<hbm>> -> memref<1x40x128xi32, #tpu.memory_space<hbm>>
      %dma_start3A_68 = tpu.memref_squeeze %dma_start3A_67 : memref<1x40x128xi32, #tpu.memory_space<hbm>> -> memref<40x128xi32, #tpu.memory_space<hbm>>
      %dma_start3A_69 = arith.constant 0 : i32
      %dma_start3A_70 = arith.constant 0 : i32
      %dma_start3A_71 = tpu.memref_slice %arg4[%add3A, %dma_start3A_69, %dma_start3A_70] : memref<32x80x128xi32, #tpu.memory_space<hbm>> -> memref<1x40x128xi32, #tpu.memory_space<hbm>>
      %dma_start3A_72 = tpu.memref_squeeze %dma_start3A_71 : memref<1x40x128xi32, #tpu.memory_space<hbm>> -> memref<40x128xi32, #tpu.memory_space<hbm>>
      tpu.enqueue_dma source(%dma_start3A_72 : memref<40x128xi32, #tpu.memory_space<hbm>>) target(%arg8 : memref<40x128xi32, #tpu.memory_space<vmem>>) target_semaphore(%run_scoped3A : memref<!tpu.dma_semaphore, #tpu.memory_space<semaphore_mem>>)
      %dma_wait3A_73 = arith.constant 0 : i32
      %dma_wait3A_74 = arith.constant 0 : i32
      %dma_wait3A_75 = tpu.memref_slice %arg4[%add3A, %dma_wait3A_73, %dma_wait3A_74] : memref<32x80x128xi32, #tpu.memory_space<hbm>> -> memref<1x40x128xi32, #tpu.memory_space<hbm>>
      %dma_wait3A_76 = tpu.memref_squeeze %dma_wait3A_75 : memref<1x40x128xi32, #tpu.memory_space<hbm>> -> memref<40x128xi32, #tpu.memory_space<hbm>>
      %dma_wait3A_77 = arith.constant 0 : i32
      %dma_wait3A_78 = arith.constant 0 : i32
      %dma_wait3A_79 = tpu.memref_slice %arg4[%add3A, %dma_wait3A_77, %dma_wait3A_78] : memref<32x80x128xi32, #tpu.memory_space<hbm>> -> memref<1x40x128xi32, #tpu.memory_space<hbm>>
      %dma_wait3A_80 = tpu.memref_squeeze %dma_wait3A_79 : memref<1x40x128xi32, #tpu.memory_space<hbm>> -> memref<40x128xi32, #tpu.memory_space<hbm>>
      tpu.wait_dma2 semaphore(%run_scoped3A : memref<!tpu.dma_semaphore, #tpu.memory_space<semaphore_mem>>) src(%dma_wait3A_80 : memref<40x128xi32, #tpu.memory_space<hbm>>) dst(%arg8 : memref<40x128xi32, #tpu.memory_space<vmem>>)
      tpu.yield
    }) : () -> ()
    "tpu.region"() ({
      %run_scoped3A = tpu.sem_alloc : memref<!tpu.dma_semaphore, #tpu.memory_space<semaphore_mem>>
      tpu.enqueue_dma source(%arg5 : memref<128x128xf32, #tpu.memory_space<hbm>>) target(%arg9 : memref<128x128xf32, #tpu.memory_space<vmem>>) target_semaphore(%run_scoped3A : memref<!tpu.dma_semaphore, #tpu.memory_space<semaphore_mem>>)
      tpu.wait_dma2 semaphore(%run_scoped3A : memref<!tpu.dma_semaphore, #tpu.memory_space<semaphore_mem>>) src(%arg5 : memref<128x128xf32, #tpu.memory_space<hbm>>) dst(%arg9 : memref<128x128xf32, #tpu.memory_space<vmem>>)
      tpu.yield
    }) : () -> ()
    %sub3A = arith.constant 80 : i32
    %sub3A_1 = arith.subi %sub3A, %arg1 : i32
    %sub3A_2 = arith.constant 16 : i32
    %sub3A_3 = arith.constant 1 : i32
    %sub3A_4 = arith.subi %sub3A_2, %sub3A_3 : i32
    %add3A_5 = arith.addi %sub3A_1, %sub3A_4 : i32
    %div3A = arith.constant 16 : i32
    %div3A_6 = arith.divsi %add3A_5, %div3A : i32
    %while3A = arith.constant 16 : i32
    %while3A_7 = arith.constant 0 : i32
    %while3A_8 = arith.subi %div3A_6, %while3A_7 : i32
    %while3A_9 = arith.addi %while3A_7, %while3A_8 : i32
    %while3A_10 = arith.constant 1 : i32
    %while3A_11 = arith.divsi %while3A_8, %while3A_10 : i32
    %while3A_12 = arith.muli %while3A_11, %while3A_10 : i32
    %while3A_13 = arith.addi %while3A_7, %while3A_12 : i32
    %while3A_14 = arith.constant 1 : i32
    scf.for %while3A_65 = %while3A_7 to %while3A_13 step %while3A_14  : i32 {
      %mul3A_66 = arith.muli %while3A_65, %while3A : i32
      %add3A_67 = arith.addi %arg1, %mul3A_66 : i32
      %mul3A_68 = arith.constant 128 : i32
      %mul3A_69 = arith.muli %add3A_67, %mul3A_68 : i32
      "tpu.region"() ({
        %run_scoped3A = tpu.sem_alloc : memref<!tpu.dma_semaphore, #tpu.memory_space<semaphore_mem>>
        %dma_start3A_70 = arith.constant 0 : i32
        %dma_start3A_71 = tpu.memref_slice %arg11[%mul3A_69, %dma_start3A_70] : memref<10240x128xf32, #tpu.memory_space<vmem_shared>> -> memref<128x128xf32, #tpu.memory_space<vmem_shared>>
        %dma_start3A_72 = arith.constant 0 : i32
        %dma_start3A_73 = tpu.memref_slice %arg11[%mul3A_69, %dma_start3A_72] : memref<10240x128xf32, #tpu.memory_space<vmem_shared>> -> memref<128x128xf32, #tpu.memory_space<vmem_shared>>
        tpu.enqueue_dma source(%arg9 : memref<128x128xf32, #tpu.memory_space<vmem>>) target(%dma_start3A_73 : memref<128x128xf32, #tpu.memory_space<vmem_shared>>) target_semaphore(%run_scoped3A : memref<!tpu.dma_semaphore, #tpu.memory_space<semaphore_mem>>)
        %dma_wait3A_74 = arith.constant 0 : i32
        %dma_wait3A_75 = tpu.memref_slice %arg11[%mul3A_69, %dma_wait3A_74] : memref<10240x128xf32, #tpu.memory_space<vmem_shared>> -> memref<128x128xf32, #tpu.memory_space<vmem_shared>>
        %dma_wait3A_76 = arith.constant 0 : i32
        %dma_wait3A_77 = tpu.memref_slice %arg11[%mul3A_69, %dma_wait3A_76] : memref<10240x128xf32, #tpu.memory_space<vmem_shared>> -> memref<128x128xf32, #tpu.memory_space<vmem_shared>>
        tpu.wait_dma2 semaphore(%run_scoped3A : memref<!tpu.dma_semaphore, #tpu.memory_space<semaphore_mem>>) src(%arg9 : memref<128x128xf32, #tpu.memory_space<vmem>>) dst(%dma_wait3A_77 : memref<128x128xf32, #tpu.memory_space<vmem_shared>>)
        tpu.yield
      }) : () -> ()
    }
    %while3A_15 = arith.constant 1 : i32
    scf.for %while3A_65 = %while3A_13 to %while3A_9 step %while3A_15  : i32 {
      %mul3A_66 = arith.muli %while3A_65, %while3A : i32
      %add3A_67 = arith.addi %arg1, %mul3A_66 : i32
      %mul3A_68 = arith.constant 128 : i32
      %mul3A_69 = arith.muli %add3A_67, %mul3A_68 : i32
      "tpu.region"() ({
        %run_scoped3A = tpu.sem_alloc : memref<!tpu.dma_semaphore, #tpu.memory_space<semaphore_mem>>
        %dma_start3A_70 = arith.constant 0 : i32
        %dma_start3A_71 = tpu.memref_slice %arg11[%mul3A_69, %dma_start3A_70] : memref<10240x128xf32, #tpu.memory_space<vmem_shared>> -> memref<128x128xf32, #tpu.memory_space<vmem_shared>>
        %dma_start3A_72 = arith.constant 0 : i32
        %dma_start3A_73 = tpu.memref_slice %arg11[%mul3A_69, %dma_start3A_72] : memref<10240x128xf32, #tpu.memory_space<vmem_shared>> -> memref<128x128xf32, #tpu.memory_space<vmem_shared>>
        tpu.enqueue_dma source(%arg9 : memref<128x128xf32, #tpu.memory_space<vmem>>) target(%dma_start3A_73 : memref<128x128xf32, #tpu.memory_space<vmem_shared>>) target_semaphore(%run_scoped3A : memref<!tpu.dma_semaphore, #tpu.memory_space<semaphore_mem>>)
        %dma_wait3A_74 = arith.constant 0 : i32
        %dma_wait3A_75 = tpu.memref_slice %arg11[%mul3A_69, %dma_wait3A_74] : memref<10240x128xf32, #tpu.memory_space<vmem_shared>> -> memref<128x128xf32, #tpu.memory_space<vmem_shared>>
        %dma_wait3A_76 = arith.constant 0 : i32
        %dma_wait3A_77 = tpu.memref_slice %arg11[%mul3A_69, %dma_wait3A_76] : memref<10240x128xf32, #tpu.memory_space<vmem_shared>> -> memref<128x128xf32, #tpu.memory_space<vmem_shared>>
        tpu.wait_dma2 semaphore(%run_scoped3A : memref<!tpu.dma_semaphore, #tpu.memory_space<semaphore_mem>>) src(%arg9 : memref<128x128xf32, #tpu.memory_space<vmem>>) dst(%dma_wait3A_77 : memref<128x128xf32, #tpu.memory_space<vmem_shared>>)
        tpu.yield
      }) : () -> ()
    }
    %barrier3A = arith.constant 0 : index
    tpu.barrier barrier_id(%barrier3A)
    %jit3A = arith.constant false
    %jit3A_16 = arith.constant -40 : i32
    %jit3A_17 = arith.constant 0 : i32
    %select_n3A = arith.select %jit3A, %jit3A_16, %jit3A_17 : i32
    %dma_start3A = arith.constant 0 : i32
    %dma_start3A_18 = tpu.memref_slice %arg7[%select_n3A, %dma_start3A] : memref<40x128xi32, #tpu.memory_space<vmem>> -> memref<1x128xi32, #tpu.memory_space<vmem>>
    %dma_start3A_19 = tpu.memref_squeeze %dma_start3A_18 : memref<1x128xi32, #tpu.memory_space<vmem>> -> memref<128xi32, #tpu.memory_space<vmem>>
    %dma_start3A_20 = arith.constant 0 : i32
    %dma_start3A_21 = arith.constant 0 : i32
    %dma_start3A_22 = tpu.memref_slice %arg2[%dma_start3A_20, %dma_start3A_21] : memref<10000x128xf32, #tpu.memory_space<hbm>> -> memref<10000x128xf32, #tpu.memory_space<hbm>>
    tpu.enqueue_indirect_dma source(%dma_start3A_22 : memref<10000x128xf32, #tpu.memory_space<hbm>>) target(%arg9 : memref<128x128xf32, #tpu.memory_space<vmem>>) offsets(%dma_start3A_19 : memref<128xi32, #tpu.memory_space<vmem>>) semaphore(%arg12 : memref<!tpu.dma_semaphore, #tpu.memory_space<semaphore_mem>>)
    %scan3A = arith.constant 0 : i32
    %scan3A_23 = arith.constant 40 : i32
    %scan3A_24 = arith.addi %scan3A, %scan3A_23 : i32
    %scan3A_25 = arith.constant 1 : i32
    scf.for %scan3A_65 = %scan3A to %scan3A_24 step %scan3A_25  : i32 {
      %mul3A_66 = arith.constant 1 : i32
      %mul3A_67 = arith.muli %scan3A_65, %mul3A_66 : i32
      %add3A_68 = arith.constant 0 : i32
      %add3A_69 = arith.addi %add3A_68, %mul3A_67 : i32
      %mul3A_70 = arith.constant 2 : i32
      %mul3A_71 = arith.muli %mul3A_70, %add3A_69 : i32
      %add3A_72 = arith.constant 1 : i32
      %add3A_73 = arith.addi %mul3A_71, %add3A_72 : i32
      %gt3A = arith.constant 0 : i32
      %gt3A_74 = arith.cmpi sgt, %add3A_69, %gt3A : i32
      %convert_element_type3A = arith.extui %gt3A_74 : i1 to i32
      %cond3A = arith.constant 0 : i32
      %cond3A_75 = arith.cmpi ne, %convert_element_type3A, %cond3A : i32
      scf.if %cond3A_75 {
        %sub3A_143 = arith.constant 2 : i32
        %sub3A_144 = arith.subi %add3A_73, %sub3A_143 : i32
        %ge3A_145 = arith.constant 40 : i32
        %ge3A_146 = arith.cmpi sge, %sub3A_144, %ge3A_145 : i32
        %sub3A_147 = arith.constant 40 : i32
        %sub3A_148 = arith.subi %sub3A_144, %sub3A_147 : i32
        %select_n3A_149 = arith.select %ge3A_146, %sub3A_148, %sub3A_144 : i32
        %dma_wait3A_150 = arith.constant 0 : i32
        %dma_wait3A_151 = tpu.memref_slice %arg8[%select_n3A_149, %dma_wait3A_150] : memref<40x128xi32, #tpu.memory_space<vmem>> -> memref<1x128xi32, #tpu.memory_space<vmem>>
        %dma_wait3A_152 = tpu.memref_squeeze %dma_wait3A_151 : memref<1x128xi32, #tpu.memory_space<vmem>> -> memref<128xi32, #tpu.memory_space<vmem>>
        %dma_wait3A_153 = arith.constant 0 : i32
        %dma_wait3A_154 = arith.constant 0 : i32
        %dma_wait3A_155 = tpu.memref_slice %arg11[%dma_wait3A_153, %dma_wait3A_154] : memref<10240x128xf32, #tpu.memory_space<vmem_shared>> -> memref<10240x128xf32, #tpu.memory_space<vmem_shared>>
        tpu.wait_indirect_dma semaphore(%arg15 : memref<!tpu.dma_semaphore, #tpu.memory_space<semaphore_mem>>) src(%arg10 : memref<128x128xf32, #tpu.memory_space<vmem>>) dst(%dma_wait3A_155 : memref<10240x128xf32, #tpu.memory_space<vmem_shared>>)
      } else {
      }
      %eq3A = arith.constant 20 : i32
      %eq3A_76 = arith.cmpi eq, %add3A_69, %eq3A : i32
      %convert_element_type3A_77 = arith.extui %eq3A_76 : i1 to i32
      %cond3A_78 = arith.constant 0 : i32
      %cond3A_79 = arith.cmpi ne, %convert_element_type3A_77, %cond3A_78 : i32
      scf.if %cond3A_79 {
        "tpu.region"() ({
          %run_scoped3A = tpu.sem_alloc : memref<!tpu.dma_semaphore, #tpu.memory_space<semaphore_mem>>
          %dma_start3A_143 = arith.constant 40 : i32
          %dma_start3A_144 = arith.constant 0 : i32
          %dma_start3A_145 = tpu.memref_slice %arg4[%add3A, %dma_start3A_143, %dma_start3A_144] : memref<32x80x128xi32, #tpu.memory_space<hbm>> -> memref<1x40x128xi32, #tpu.memory_space<hbm>>
          %dma_start3A_146 = tpu.memref_squeeze %dma_start3A_145 : memref<1x40x128xi32, #tpu.memory_space<hbm>> -> memref<40x128xi32, #tpu.memory_space<hbm>>
          %dma_start3A_147 = arith.constant 40 : i32
          %dma_start3A_148 = arith.constant 0 : i32
          %dma_start3A_149 = tpu.memref_slice %arg4[%add3A, %dma_start3A_147, %dma_start3A_148] : memref<32x80x128xi32, #tpu.memory_space<hbm>> -> memref<1x40x128xi32, #tpu.memory_space<hbm>>
          %dma_start3A_150 = tpu.memref_squeeze %dma_start3A_149 : memref<1x40x128xi32, #tpu.memory_space<hbm>> -> memref<40x128xi32, #tpu.memory_space<hbm>>
          tpu.enqueue_dma source(%dma_start3A_150 : memref<40x128xi32, #tpu.memory_space<hbm>>) target(%arg8 : memref<40x128xi32, #tpu.memory_space<vmem>>) target_semaphore(%run_scoped3A : memref<!tpu.dma_semaphore, #tpu.memory_space<semaphore_mem>>)
          %dma_wait3A_151 = arith.constant 40 : i32
          %dma_wait3A_152 = arith.constant 0 : i32
          %dma_wait3A_153 = tpu.memref_slice %arg4[%add3A, %dma_wait3A_151, %dma_wait3A_152] : memref<32x80x128xi32, #tpu.memory_space<hbm>> -> memref<1x40x128xi32, #tpu.memory_space<hbm>>
          %dma_wait3A_154 = tpu.memref_squeeze %dma_wait3A_153 : memref<1x40x128xi32, #tpu.memory_space<hbm>> -> memref<40x128xi32, #tpu.memory_space<hbm>>
          %dma_wait3A_155 = arith.constant 40 : i32
          %dma_wait3A_156 = arith.constant 0 : i32
          %dma_wait3A_157 = tpu.memref_slice %arg4[%add3A, %dma_wait3A_155, %dma_wait3A_156] : memref<32x80x128xi32, #tpu.memory_space<hbm>> -> memref<1x40x128xi32, #tpu.memory_space<hbm>>
          %dma_wait3A_158 = tpu.memref_squeeze %dma_wait3A_157 : memref<1x40x128xi32, #tpu.memory_space<hbm>> -> memref<40x128xi32, #tpu.memory_space<hbm>>
          tpu.wait_dma2 semaphore(%run_scoped3A : memref<!tpu.dma_semaphore, #tpu.memory_space<semaphore_mem>>) src(%dma_wait3A_158 : memref<40x128xi32, #tpu.memory_space<hbm>>) dst(%arg8 : memref<40x128xi32, #tpu.memory_space<vmem>>)
          tpu.yield
        }) : () -> ()
      } else {
      }
      %ge3A = arith.constant 40 : i32
      %ge3A_80 = arith.cmpi sge, %add3A_73, %ge3A : i32
      %sub3A_81 = arith.constant 40 : i32
      %sub3A_82 = arith.subi %add3A_73, %sub3A_81 : i32
      %select_n3A_83 = arith.select %ge3A_80, %sub3A_82, %add3A_73 : i32
      %dma_start3A_84 = arith.constant 0 : i32
      %dma_start3A_85 = tpu.memref_slice %arg7[%select_n3A_83, %dma_start3A_84] : memref<40x128xi32, #tpu.memory_space<vmem>> -> memref<1x128xi32, #tpu.memory_space<vmem>>
      %dma_start3A_86 = tpu.memref_squeeze %dma_start3A_85 : memref<1x128xi32, #tpu.memory_space<vmem>> -> memref<128xi32, #tpu.memory_space<vmem>>
      %dma_start3A_87 = arith.constant 0 : i32
      %dma_start3A_88 = arith.constant 0 : i32
      %dma_start3A_89 = tpu.memref_slice %arg2[%dma_start3A_87, %dma_start3A_88] : memref<10000x128xf32, #tpu.memory_space<hbm>> -> memref<10000x128xf32, #tpu.memory_space<hbm>>
      tpu.enqueue_indirect_dma source(%dma_start3A_89 : memref<10000x128xf32, #tpu.memory_space<hbm>>) target(%arg10 : memref<128x128xf32, #tpu.memory_space<vmem>>) offsets(%dma_start3A_86 : memref<128xi32, #tpu.memory_space<vmem>>) semaphore(%arg13 : memref<!tpu.dma_semaphore, #tpu.memory_space<semaphore_mem>>)
      %ge3A_90 = arith.constant 40 : i32
      %ge3A_91 = arith.cmpi sge, %mul3A_71, %ge3A_90 : i32
      %sub3A_92 = arith.constant 40 : i32
      %sub3A_93 = arith.subi %mul3A_71, %sub3A_92 : i32
      %select_n3A_94 = arith.select %ge3A_91, %sub3A_93, %mul3A_71 : i32
      %dma_wait3A_95 = arith.constant 0 : i32
      %dma_wait3A_96 = tpu.memref_slice %arg7[%select_n3A_94, %dma_wait3A_95] : memref<40x128xi32, #tpu.memory_space<vmem>> -> memref<1x128xi32, #tpu.memory_space<vmem>>
      %dma_wait3A_97 = tpu.memref_squeeze %dma_wait3A_96 : memref<1x128xi32, #tpu.memory_space<vmem>> -> memref<128xi32, #tpu.memory_space<vmem>>
      %dma_wait3A_98 = arith.constant 0 : i32
      %dma_wait3A_99 = arith.constant 0 : i32
      %dma_wait3A_100 = tpu.memref_slice %arg2[%dma_wait3A_98, %dma_wait3A_99] : memref<10000x128xf32, #tpu.memory_space<hbm>> -> memref<10000x128xf32, #tpu.memory_space<hbm>>
      tpu.wait_indirect_dma semaphore(%arg12 : memref<!tpu.dma_semaphore, #tpu.memory_space<semaphore_mem>>) src(%dma_wait3A_100 : memref<10000x128xf32, #tpu.memory_space<hbm>>) dst(%arg9 : memref<128x128xf32, #tpu.memory_space<vmem>>)
      %ge3A_101 = arith.constant 40 : i32
      %ge3A_102 = arith.cmpi sge, %mul3A_71, %ge3A_101 : i32
      %sub3A_103 = arith.constant 40 : i32
      %sub3A_104 = arith.subi %mul3A_71, %sub3A_103 : i32
      %select_n3A_105 = arith.select %ge3A_102, %sub3A_104, %mul3A_71 : i32
      %dma_start3A_106 = arith.constant 0 : i32
      %dma_start3A_107 = tpu.memref_slice %arg8[%select_n3A_105, %dma_start3A_106] : memref<40x128xi32, #tpu.memory_space<vmem>> -> memref<1x128xi32, #tpu.memory_space<vmem>>
      %dma_start3A_108 = tpu.memref_squeeze %dma_start3A_107 : memref<1x128xi32, #tpu.memory_space<vmem>> -> memref<128xi32, #tpu.memory_space<vmem>>
      %dma_start3A_109 = arith.constant 0 : i32
      %dma_start3A_110 = arith.constant 0 : i32
      %dma_start3A_111 = tpu.memref_slice %arg11[%dma_start3A_109, %dma_start3A_110] : memref<10240x128xf32, #tpu.memory_space<vmem_shared>> -> memref<10240x128xf32, #tpu.memory_space<vmem_shared>>
      tpu.enqueue_indirect_dma source(%arg9 : memref<128x128xf32, #tpu.memory_space<vmem>>) target(%dma_start3A_111 : memref<10240x128xf32, #tpu.memory_space<vmem_shared>>) offsets(%dma_start3A_108 : memref<128xi32, #tpu.memory_space<vmem>>) semaphore(%arg14 : memref<!tpu.dma_semaphore, #tpu.memory_space<semaphore_mem>>) {add = true}
      %ge3A_112 = arith.constant 40 : i32
      %ge3A_113 = arith.cmpi sge, %add3A_73, %ge3A_112 : i32
      %sub3A_114 = arith.constant 40 : i32
      %sub3A_115 = arith.subi %add3A_73, %sub3A_114 : i32
      %select_n3A_116 = arith.select %ge3A_113, %sub3A_115, %add3A_73 : i32
      %dma_wait3A_117 = arith.constant 0 : i32
      %dma_wait3A_118 = tpu.memref_slice %arg7[%select_n3A_116, %dma_wait3A_117] : memref<40x128xi32, #tpu.memory_space<vmem>> -> memref<1x128xi32, #tpu.memory_space<vmem>>
      %dma_wait3A_119 = tpu.memref_squeeze %dma_wait3A_118 : memref<1x128xi32, #tpu.memory_space<vmem>> -> memref<128xi32, #tpu.memory_space<vmem>>
      %dma_wait3A_120 = arith.constant 0 : i32
      %dma_wait3A_121 = arith.constant 0 : i32
      %dma_wait3A_122 = tpu.memref_slice %arg2[%dma_wait3A_120, %dma_wait3A_121] : memref<10000x128xf32, #tpu.memory_space<hbm>> -> memref<10000x128xf32, #tpu.memory_space<hbm>>
      tpu.wait_indirect_dma semaphore(%arg13 : memref<!tpu.dma_semaphore, #tpu.memory_space<semaphore_mem>>) src(%dma_wait3A_122 : memref<10000x128xf32, #tpu.memory_space<hbm>>) dst(%arg10 : memref<128x128xf32, #tpu.memory_space<vmem>>)
      %ge3A_123 = arith.constant 40 : i32
      %ge3A_124 = arith.cmpi sge, %add3A_73, %ge3A_123 : i32
      %sub3A_125 = arith.constant 40 : i32
      %sub3A_126 = arith.subi %add3A_73, %sub3A_125 : i32
      %select_n3A_127 = arith.select %ge3A_124, %sub3A_126, %add3A_73 : i32
      %dma_start3A_128 = arith.constant 0 : i32
      %dma_start3A_129 = tpu.memref_slice %arg8[%select_n3A_127, %dma_start3A_128] : memref<40x128xi32, #tpu.memory_space<vmem>> -> memref<1x128xi32, #tpu.memory_space<vmem>>
      %dma_start3A_130 = tpu.memref_squeeze %dma_start3A_129 : memref<1x128xi32, #tpu.memory_space<vmem>> -> memref<128xi32, #tpu.memory_space<vmem>>
      %dma_start3A_131 = arith.constant 0 : i32
      %dma_start3A_132 = arith.constant 0 : i32
      %dma_start3A_133 = tpu.memref_slice %arg11[%dma_start3A_131, %dma_start3A_132] : memref<10240x128xf32, #tpu.memory_space<vmem_shared>> -> memref<10240x128xf32, #tpu.memory_space<vmem_shared>>
      tpu.enqueue_indirect_dma source(%arg10 : memref<128x128xf32, #tpu.memory_space<vmem>>) target(%dma_start3A_133 : memref<10240x128xf32, #tpu.memory_space<vmem_shared>>) offsets(%dma_start3A_130 : memref<128xi32, #tpu.memory_space<vmem>>) semaphore(%arg15 : memref<!tpu.dma_semaphore, #tpu.memory_space<semaphore_mem>>) {add = true}
      %eq3A_134 = arith.constant 19 : i32
      %eq3A_135 = arith.cmpi eq, %add3A_69, %eq3A_134 : i32
      %convert_element_type3A_136 = arith.extui %eq3A_135 : i1 to i32
      %cond3A_137 = arith.constant 0 : i32
      %cond3A_138 = arith.cmpi ne, %convert_element_type3A_136, %cond3A_137 : i32
      scf.if %cond3A_138 {
        "tpu.region"() ({
          %run_scoped3A = tpu.sem_alloc : memref<!tpu.dma_semaphore, #tpu.memory_space<semaphore_mem>>
          %dma_start3A_143 = arith.constant 40 : i32
          %dma_start3A_144 = arith.constant 0 : i32
          %dma_start3A_145 = tpu.memref_slice %arg3[%add3A, %dma_start3A_143, %dma_start3A_144] : memref<32x80x128xi32, #tpu.memory_space<hbm>> -> memref<1x40x128xi32, #tpu.memory_space<hbm>>
          %dma_start3A_146 = tpu.memref_squeeze %dma_start3A_145 : memref<1x40x128xi32, #tpu.memory_space<hbm>> -> memref<40x128xi32, #tpu.memory_space<hbm>>
          %dma_start3A_147 = arith.constant 40 : i32
          %dma_start3A_148 = arith.constant 0 : i32
          %dma_start3A_149 = tpu.memref_slice %arg3[%add3A, %dma_start3A_147, %dma_start3A_148] : memref<32x80x128xi32, #tpu.memory_space<hbm>> -> memref<1x40x128xi32, #tpu.memory_space<hbm>>
          %dma_start3A_150 = tpu.memref_squeeze %dma_start3A_149 : memref<1x40x128xi32, #tpu.memory_space<hbm>> -> memref<40x128xi32, #tpu.memory_space<hbm>>
          tpu.enqueue_dma source(%dma_start3A_150 : memref<40x128xi32, #tpu.memory_space<hbm>>) target(%arg7 : memref<40x128xi32, #tpu.memory_space<vmem>>) target_semaphore(%run_scoped3A : memref<!tpu.dma_semaphore, #tpu.memory_space<semaphore_mem>>)
          %dma_wait3A_151 = arith.constant 40 : i32
          %dma_wait3A_152 = arith.constant 0 : i32
          %dma_wait3A_153 = tpu.memref_slice %arg3[%add3A, %dma_wait3A_151, %dma_wait3A_152] : memref<32x80x128xi32, #tpu.memory_space<hbm>> -> memref<1x40x128xi32, #tpu.memory_space<hbm>>
          %dma_wait3A_154 = tpu.memref_squeeze %dma_wait3A_153 : memref<1x40x128xi32, #tpu.memory_space<hbm>> -> memref<40x128xi32, #tpu.memory_space<hbm>>
          %dma_wait3A_155 = arith.constant 40 : i32
          %dma_wait3A_156 = arith.constant 0 : i32
          %dma_wait3A_157 = tpu.memref_slice %arg3[%add3A, %dma_wait3A_155, %dma_wait3A_156] : memref<32x80x128xi32, #tpu.memory_space<hbm>> -> memref<1x40x128xi32, #tpu.memory_space<hbm>>
          %dma_wait3A_158 = tpu.memref_squeeze %dma_wait3A_157 : memref<1x40x128xi32, #tpu.memory_space<hbm>> -> memref<40x128xi32, #tpu.memory_space<hbm>>
          tpu.wait_dma2 semaphore(%run_scoped3A : memref<!tpu.dma_semaphore, #tpu.memory_space<semaphore_mem>>) src(%dma_wait3A_158 : memref<40x128xi32, #tpu.memory_space<hbm>>) dst(%arg7 : memref<40x128xi32, #tpu.memory_space<vmem>>)
          tpu.yield
        }) : () -> ()
      } else {
      }
      %lt3A = arith.constant 39 : i32
      %lt3A_139 = arith.cmpi slt, %add3A_69, %lt3A : i32
      %convert_element_type3A_140 = arith.extui %lt3A_139 : i1 to i32
      %cond3A_141 = arith.constant 0 : i32
      %cond3A_142 = arith.cmpi ne, %convert_element_type3A_140, %cond3A_141 : i32
      scf.if %cond3A_142 {
        %ge3A_143 = arith.constant 40 : i32
        %ge3A_144 = arith.cmpi sge, %mul3A_71, %ge3A_143 : i32
        %sub3A_145 = arith.constant 40 : i32
        %sub3A_146 = arith.subi %mul3A_71, %sub3A_145 : i32
        %select_n3A_147 = arith.select %ge3A_144, %sub3A_146, %mul3A_71 : i32
        %dma_wait3A_148 = arith.constant 0 : i32
        %dma_wait3A_149 = tpu.memref_slice %arg8[%select_n3A_147, %dma_wait3A_148] : memref<40x128xi32, #tpu.memory_space<vmem>> -> memref<1x128xi32, #tpu.memory_space<vmem>>
        %dma_wait3A_150 = tpu.memref_squeeze %dma_wait3A_149 : memref<1x128xi32, #tpu.memory_space<vmem>> -> memref<128xi32, #tpu.memory_space<vmem>>
        %dma_wait3A_151 = arith.constant 0 : i32
        %dma_wait3A_152 = arith.constant 0 : i32
        %dma_wait3A_153 = tpu.memref_slice %arg11[%dma_wait3A_151, %dma_wait3A_152] : memref<10240x128xf32, #tpu.memory_space<vmem_shared>> -> memref<10240x128xf32, #tpu.memory_space<vmem_shared>>
        tpu.wait_indirect_dma semaphore(%arg14 : memref<!tpu.dma_semaphore, #tpu.memory_space<semaphore_mem>>) src(%arg9 : memref<128x128xf32, #tpu.memory_space<vmem>>) dst(%dma_wait3A_153 : memref<10240x128xf32, #tpu.memory_space<vmem_shared>>)
        %add3A_154 = arith.constant 2 : i32
        %add3A_155 = arith.addi %mul3A_71, %add3A_154 : i32
        %ge3A_156 = arith.constant 40 : i32
        %ge3A_157 = arith.cmpi sge, %add3A_155, %ge3A_156 : i32
        %sub3A_158 = arith.constant 40 : i32
        %sub3A_159 = arith.subi %add3A_155, %sub3A_158 : i32
        %select_n3A_160 = arith.select %ge3A_157, %sub3A_159, %add3A_155 : i32
        %dma_start3A_161 = arith.constant 0 : i32
        %dma_start3A_162 = tpu.memref_slice %arg7[%select_n3A_160, %dma_start3A_161] : memref<40x128xi32, #tpu.memory_space<vmem>> -> memref<1x128xi32, #tpu.memory_space<vmem>>
        %dma_start3A_163 = tpu.memref_squeeze %dma_start3A_162 : memref<1x128xi32, #tpu.memory_space<vmem>> -> memref<128xi32, #tpu.memory_space<vmem>>
        %dma_start3A_164 = arith.constant 0 : i32
        %dma_start3A_165 = arith.constant 0 : i32
        %dma_start3A_166 = tpu.memref_slice %arg2[%dma_start3A_164, %dma_start3A_165] : memref<10000x128xf32, #tpu.memory_space<hbm>> -> memref<10000x128xf32, #tpu.memory_space<hbm>>
        tpu.enqueue_indirect_dma source(%dma_start3A_166 : memref<10000x128xf32, #tpu.memory_space<hbm>>) target(%arg9 : memref<128x128xf32, #tpu.memory_space<vmem>>) offsets(%dma_start3A_163 : memref<128xi32, #tpu.memory_space<vmem>>) semaphore(%arg12 : memref<!tpu.dma_semaphore, #tpu.memory_space<semaphore_mem>>)
      } else {
      }
    }
    %scan3A_26 = arith.constant 40 : i32
    %jit3A_27 = arith.constant true
    %jit3A_28 = arith.constant 38 : i32
    %jit3A_29 = arith.constant 78 : i32
    %select_n3A_30 = arith.select %jit3A_27, %jit3A_28, %jit3A_29 : i32
    %dma_wait3A = arith.constant 0 : i32
    %dma_wait3A_31 = tpu.memref_slice %arg8[%select_n3A_30, %dma_wait3A] : memref<40x128xi32, #tpu.memory_space<vmem>> -> memref<1x128xi32, #tpu.memory_space<vmem>>
    %dma_wait3A_32 = tpu.memref_squeeze %dma_wait3A_31 : memref<1x128xi32, #tpu.memory_space<vmem>> -> memref<128xi32, #tpu.memory_space<vmem>>
    %dma_wait3A_33 = arith.constant 0 : i32
    %dma_wait3A_34 = arith.constant 0 : i32
    %dma_wait3A_35 = tpu.memref_slice %arg11[%dma_wait3A_33, %dma_wait3A_34] : memref<10240x128xf32, #tpu.memory_space<vmem_shared>> -> memref<10240x128xf32, #tpu.memory_space<vmem_shared>>
    tpu.wait_indirect_dma semaphore(%arg14 : memref<!tpu.dma_semaphore, #tpu.memory_space<semaphore_mem>>) src(%arg9 : memref<128x128xf32, #tpu.memory_space<vmem>>) dst(%dma_wait3A_35 : memref<10240x128xf32, #tpu.memory_space<vmem_shared>>)
    %jit3A_36 = arith.constant true
    %jit3A_37 = arith.constant 39 : i32
    %jit3A_38 = arith.constant 79 : i32
    %select_n3A_39 = arith.select %jit3A_36, %jit3A_37, %jit3A_38 : i32
    %dma_wait3A_40 = arith.constant 0 : i32
    %dma_wait3A_41 = tpu.memref_slice %arg8[%select_n3A_39, %dma_wait3A_40] : memref<40x128xi32, #tpu.memory_space<vmem>> -> memref<1x128xi32, #tpu.memory_space<vmem>>
    %dma_wait3A_42 = tpu.memref_squeeze %dma_wait3A_41 : memref<1x128xi32, #tpu.memory_space<vmem>> -> memref<128xi32, #tpu.memory_space<vmem>>
    %dma_wait3A_43 = arith.constant 0 : i32
    %dma_wait3A_44 = arith.constant 0 : i32
    %dma_wait3A_45 = tpu.memref_slice %arg11[%dma_wait3A_43, %dma_wait3A_44] : memref<10240x128xf32, #tpu.memory_space<vmem_shared>> -> memref<10240x128xf32, #tpu.memory_space<vmem_shared>>
    tpu.wait_indirect_dma semaphore(%arg15 : memref<!tpu.dma_semaphore, #tpu.memory_space<semaphore_mem>>) src(%arg10 : memref<128x128xf32, #tpu.memory_space<vmem>>) dst(%dma_wait3A_45 : memref<10240x128xf32, #tpu.memory_space<vmem_shared>>)
    %barrier3A_46 = arith.constant 0 : index
    tpu.barrier barrier_id(%barrier3A_46)
    %sub3A_47 = arith.constant 80 : i32
    %sub3A_48 = arith.subi %sub3A_47, %arg1 : i32
    %sub3A_49 = arith.constant 16 : i32
    %sub3A_50 = arith.constant 1 : i32
    %sub3A_51 = arith.subi %sub3A_49, %sub3A_50 : i32
    %add3A_52 = arith.addi %sub3A_48, %sub3A_51 : i32
    %div3A_53 = arith.constant 16 : i32
    %div3A_54 = arith.divsi %add3A_52, %div3A_53 : i32
    %while3A_55 = arith.constant 16 : i32
    %while3A_56 = arith.constant 0 : i32
    %while3A_57 = arith.subi %div3A_54, %while3A_56 : i32
    %while3A_58 = arith.addi %while3A_56, %while3A_57 : i32
    %while3A_59 = arith.constant 1 : i32
    %while3A_60 = arith.divsi %while3A_57, %while3A_59 : i32
    %while3A_61 = arith.muli %while3A_60, %while3A_59 : i32
    %while3A_62 = arith.addi %while3A_56, %while3A_61 : i32
    %while3A_63 = arith.constant 1 : i32
    scf.for %while3A_65 = %while3A_56 to %while3A_62 step %while3A_63  : i32 {
      %mul3A_66 = arith.muli %while3A_65, %while3A_55 : i32
      %add3A_67 = arith.addi %arg1, %mul3A_66 : i32
      %mul3A_68 = arith.constant 128 : i32
      %mul3A_69 = arith.muli %add3A_67, %mul3A_68 : i32
      "tpu.region"() ({
        %run_scoped3A = tpu.sem_alloc : memref<!tpu.dma_semaphore, #tpu.memory_space<semaphore_mem>>
        %dma_start3A_70 = arith.constant 0 : i32
        %dma_start3A_71 = tpu.memref_slice %arg11[%mul3A_69, %dma_start3A_70] : memref<10240x128xf32, #tpu.memory_space<vmem_shared>> -> memref<128x128xf32, #tpu.memory_space<vmem_shared>>
        %dma_start3A_72 = arith.constant 0 : i32
        %dma_start3A_73 = tpu.memref_slice %arg11[%mul3A_69, %dma_start3A_72] : memref<10240x128xf32, #tpu.memory_space<vmem_shared>> -> memref<128x128xf32, #tpu.memory_space<vmem_shared>>
        tpu.enqueue_dma source(%dma_start3A_73 : memref<128x128xf32, #tpu.memory_space<vmem_shared>>) target(%arg9 : memref<128x128xf32, #tpu.memory_space<vmem>>) target_semaphore(%run_scoped3A : memref<!tpu.dma_semaphore, #tpu.memory_space<semaphore_mem>>)
        %dma_wait3A_74 = arith.constant 0 : i32
        %dma_wait3A_75 = tpu.memref_slice %arg11[%mul3A_69, %dma_wait3A_74] : memref<10240x128xf32, #tpu.memory_space<vmem_shared>> -> memref<128x128xf32, #tpu.memory_space<vmem_shared>>
        %dma_wait3A_76 = arith.constant 0 : i32
        %dma_wait3A_77 = tpu.memref_slice %arg11[%mul3A_69, %dma_wait3A_76] : memref<10240x128xf32, #tpu.memory_space<vmem_shared>> -> memref<128x128xf32, #tpu.memory_space<vmem_shared>>
        tpu.wait_dma2 semaphore(%run_scoped3A : memref<!tpu.dma_semaphore, #tpu.memory_space<semaphore_mem>>) src(%dma_wait3A_77 : memref<128x128xf32, #tpu.memory_space<vmem_shared>>) dst(%arg9 : memref<128x128xf32, #tpu.memory_space<vmem>>)
        tpu.yield
      }) : () -> ()
      "tpu.region"() ({
        %run_scoped3A = tpu.sem_alloc : memref<!tpu.dma_semaphore, #tpu.memory_space<semaphore_mem>>
        %dma_start3A_70 = arith.constant 0 : i32
        %dma_start3A_71 = tpu.memref_slice %arg6[%arg0, %mul3A_69, %dma_start3A_70] : memref<2x10240x128xf32, #tpu.memory_space<hbm>> -> memref<1x128x128xf32, #tpu.memory_space<hbm>>
        %dma_start3A_72 = tpu.memref_squeeze %dma_start3A_71 : memref<1x128x128xf32, #tpu.memory_space<hbm>> -> memref<128x128xf32, #tpu.memory_space<hbm>>
        %dma_start3A_73 = arith.constant 0 : i32
        %dma_start3A_74 = tpu.memref_slice %arg6[%arg0, %mul3A_69, %dma_start3A_73] : memref<2x10240x128xf32, #tpu.memory_space<hbm>> -> memref<1x128x128xf32, #tpu.memory_space<hbm>>
        %dma_start3A_75 = tpu.memref_squeeze %dma_start3A_74 : memref<1x128x128xf32, #tpu.memory_space<hbm>> -> memref<128x128xf32, #tpu.memory_space<hbm>>
        tpu.enqueue_dma source(%arg9 : memref<128x128xf32, #tpu.memory_space<vmem>>) target(%dma_start3A_75 : memref<128x128xf32, #tpu.memory_space<hbm>>) target_semaphore(%run_scoped3A : memref<!tpu.dma_semaphore, #tpu.memory_space<semaphore_mem>>)
        %dma_wait3A_76 = arith.constant 0 : i32
        %dma_wait3A_77 = tpu.memref_slice %arg6[%arg0, %mul3A_69, %dma_wait3A_76] : memref<2x10240x128xf32, #tpu.memory_space<hbm>> -> memref<1x128x128xf32, #tpu.memory_space<hbm>>
        %dma_wait3A_78 = tpu.memref_squeeze %dma_wait3A_77 : memref<1x128x128xf32, #tpu.memory_space<hbm>> -> memref<128x128xf32, #tpu.memory_space<hbm>>
        %dma_wait3A_79 = arith.constant 0 : i32
        %dma_wait3A_80 = tpu.memref_slice %arg6[%arg0, %mul3A_69, %dma_wait3A_79] : memref<2x10240x128xf32, #tpu.memory_space<hbm>> -> memref<1x128x128xf32, #tpu.memory_space<hbm>>
        %dma_wait3A_81 = tpu.memref_squeeze %dma_wait3A_80 : memref<1x128x128xf32, #tpu.memory_space<hbm>> -> memref<128x128xf32, #tpu.memory_space<hbm>>
        tpu.wait_dma2 semaphore(%run_scoped3A : memref<!tpu.dma_semaphore, #tpu.memory_space<semaphore_mem>>) src(%arg9 : memref<128x128xf32, #tpu.memory_space<vmem>>) dst(%dma_wait3A_81 : memref<128x128xf32, #tpu.memory_space<hbm>>)
        tpu.yield
      }) : () -> ()
    }
    %while3A_64 = arith.constant 1 : i32
    scf.for %while3A_65 = %while3A_62 to %while3A_58 step %while3A_64  : i32 {
      %mul3A_66 = arith.muli %while3A_65, %while3A_55 : i32
      %add3A_67 = arith.addi %arg1, %mul3A_66 : i32
      %mul3A_68 = arith.constant 128 : i32
      %mul3A_69 = arith.muli %add3A_67, %mul3A_68 : i32
      "tpu.region"() ({
        %run_scoped3A = tpu.sem_alloc : memref<!tpu.dma_semaphore, #tpu.memory_space<semaphore_mem>>
        %dma_start3A_70 = arith.constant 0 : i32
        %dma_start3A_71 = tpu.memref_slice %arg11[%mul3A_69, %dma_start3A_70] : memref<10240x128xf32, #tpu.memory_space<vmem_shared>> -> memref<128x128xf32, #tpu.memory_space<vmem_shared>>
        %dma_start3A_72 = arith.constant 0 : i32
        %dma_start3A_73 = tpu.memref_slice %arg11[%mul3A_69, %dma_start3A_72] : memref<10240x128xf32, #tpu.memory_space<vmem_shared>> -> memref<128x128xf32, #tpu.memory_space<vmem_shared>>
        tpu.enqueue_dma source(%dma_start3A_73 : memref<128x128xf32, #tpu.memory_space<vmem_shared>>) target(%arg9 : memref<128x128xf32, #tpu.memory_space<vmem>>) target_semaphore(%run_scoped3A : memref<!tpu.dma_semaphore, #tpu.memory_space<semaphore_mem>>)
        %dma_wait3A_74 = arith.constant 0 : i32
        %dma_wait3A_75 = tpu.memref_slice %arg11[%mul3A_69, %dma_wait3A_74] : memref<10240x128xf32, #tpu.memory_space<vmem_shared>> -> memref<128x128xf32, #tpu.memory_space<vmem_shared>>
        %dma_wait3A_76 = arith.constant 0 : i32
        %dma_wait3A_77 = tpu.memref_slice %arg11[%mul3A_69, %dma_wait3A_76] : memref<10240x128xf32, #tpu.memory_space<vmem_shared>> -> memref<128x128xf32, #tpu.memory_space<vmem_shared>>
        tpu.wait_dma2 semaphore(%run_scoped3A : memref<!tpu.dma_semaphore, #tpu.memory_space<semaphore_mem>>) src(%dma_wait3A_77 : memref<128x128xf32, #tpu.memory_space<vmem_shared>>) dst(%arg9 : memref<128x128xf32, #tpu.memory_space<vmem>>)
        tpu.yield
      }) : () -> ()
      "tpu.region"() ({
        %run_scoped3A = tpu.sem_alloc : memref<!tpu.dma_semaphore, #tpu.memory_space<semaphore_mem>>
        %dma_start3A_70 = arith.constant 0 : i32
        %dma_start3A_71 = tpu.memref_slice %arg6[%arg0, %mul3A_69, %dma_start3A_70] : memref<2x10240x128xf32, #tpu.memory_space<hbm>> -> memref<1x128x128xf32, #tpu.memory_space<hbm>>
        %dma_start3A_72 = tpu.memref_squeeze %dma_start3A_71 : memref<1x128x128xf32, #tpu.memory_space<hbm>> -> memref<128x128xf32, #tpu.memory_space<hbm>>
        %dma_start3A_73 = arith.constant 0 : i32
        %dma_start3A_74 = tpu.memref_slice %arg6[%arg0, %mul3A_69, %dma_start3A_73] : memref<2x10240x128xf32, #tpu.memory_space<hbm>> -> memref<1x128x128xf32, #tpu.memory_space<hbm>>
        %dma_start3A_75 = tpu.memref_squeeze %dma_start3A_74 : memref<1x128x128xf32, #tpu.memory_space<hbm>> -> memref<128x128xf32, #tpu.memory_space<hbm>>
        tpu.enqueue_dma source(%arg9 : memref<128x128xf32, #tpu.memory_space<vmem>>) target(%dma_start3A_75 : memref<128x128xf32, #tpu.memory_space<hbm>>) target_semaphore(%run_scoped3A : memref<!tpu.dma_semaphore, #tpu.memory_space<semaphore_mem>>)
        %dma_wait3A_76 = arith.constant 0 : i32
        %dma_wait3A_77 = tpu.memref_slice %arg6[%arg0, %mul3A_69, %dma_wait3A_76] : memref<2x10240x128xf32, #tpu.memory_space<hbm>> -> memref<1x128x128xf32, #tpu.memory_space<hbm>>
        %dma_wait3A_78 = tpu.memref_squeeze %dma_wait3A_77 : memref<1x128x128xf32, #tpu.memory_space<hbm>> -> memref<128x128xf32, #tpu.memory_space<hbm>>
        %dma_wait3A_79 = arith.constant 0 : i32
        %dma_wait3A_80 = tpu.memref_slice %arg6[%arg0, %mul3A_69, %dma_wait3A_79] : memref<2x10240x128xf32, #tpu.memory_space<hbm>> -> memref<1x128x128xf32, #tpu.memory_space<hbm>>
        %dma_wait3A_81 = tpu.memref_squeeze %dma_wait3A_80 : memref<1x128x128xf32, #tpu.memory_space<hbm>> -> memref<128x128xf32, #tpu.memory_space<hbm>>
        tpu.wait_dma2 semaphore(%run_scoped3A : memref<!tpu.dma_semaphore, #tpu.memory_space<semaphore_mem>>) src(%arg9 : memref<128x128xf32, #tpu.memory_space<vmem>>) dst(%dma_wait3A_81 : memref<128x128xf32, #tpu.memory_space<hbm>>)
        tpu.yield
      }) : () -> ()
    }
    return
  }
}

module attributes {stable_mosaic.version = 14 : i64} {
  func.func @_tc2a_body(%arg0: i32, %arg1: memref<2000x128xf32, #tpu.memory_space<vmem>>, %arg2: memref<128x128xf32, #tpu.memory_space<vmem>>, %arg3: memref<1x128xf32, #tpu.memory_space<vmem>>, %arg4: memref<2000x128xf32, #tpu.memory_space<vmem>>) attributes {dimension_semantics = [#tpu.dimension_semantics<arbitrary>], iteration_bounds = array<i64: 5>, scalar_prefetch = 0 : i64, scratch_operands = 0 : i64, tpu.core_type = #tpu.core_type<tc>, window_params = [{transform_indices = @transform_0, window_bounds = array<i64: 2000, 128>}, {pipeline_mode = #tpu.pipeline_mode<synchronous>, transform_indices = @transform_1, window_bounds = array<i64: 128, 128>}, {pipeline_mode = #tpu.pipeline_mode<synchronous>, transform_indices = @transform_2, window_bounds = array<i64: 1, 128>}, {transform_indices = @transform_3, window_bounds = array<i64: 2000, 128>}]} {
    %get3A = arith.constant 0 : index
    %get3A_0 = arith.constant 0 : index
    %get3A_1 = vector.load %arg1[%get3A, %get3A_0] : memref<2000x128xf32, #tpu.memory_space<vmem>>, vector<2000x128xf32>
    %get3A_2 = arith.constant 0 : index
    %get3A_3 = arith.constant 0 : index
    %get3A_4 = vector.load %arg2[%get3A_2, %get3A_3] : memref<128x128xf32, #tpu.memory_space<vmem>>, vector<128x128xf32>
    %dot_general3A = arith.constant dense<0.000000e+00> : vector<2000x128xf32>
    %dot_general3A_5 = tpu.matmul %get3A_1, %get3A_4, %dot_general3A {dimension_numbers = #tpu.dot_dimension_numbers<[1], [0], [0], [1], [0, 0, 1, 1], [], []>, transpose_lhs_hint = false} : vector<2000x128xf32>, vector<128x128xf32>, vector<2000x128xf32> -> vector<2000x128xf32>
    %get3A_6 = arith.constant 0 : index
    %get3A_7 = arith.constant 0 : index
    %get3A_8 = vector.load %arg3[%get3A_6, %get3A_7] : memref<1x128xf32, #tpu.memory_space<vmem>>, vector<1x128xf32>
    %add3A = vector.broadcast %get3A_8 : vector<1x128xf32> to vector<2000x128xf32>
    %add3A_9 = arith.addf %dot_general3A_5, %add3A : vector<2000x128xf32>
    %swap3A = arith.constant 0 : index
    %swap3A_10 = arith.constant 0 : index
    %swap3A_11 = vector.load %arg4[%swap3A, %swap3A_10] : memref<2000x128xf32, #tpu.memory_space<vmem>>, vector<2000x128xf32>
    tpu.vector_store %arg4[%swap3A, %swap3A_10], %add3A_9 {strides = array<i32>} : memref<2000x128xf32, #tpu.memory_space<vmem>>, vector<2000x128xf32>,
    return
  }
  func.func @transform_0(%arg0: i32) -> (i32, i32) {
    %c0_i32 = arith.constant 0 : i32
    %c0_i32_0 = arith.constant 0 : i32
    return %arg0, %c0_i32 : i32, i32
  }
  func.func @transform_1(%arg0: i32) -> (i32, i32) {
    %c0_i32 = arith.constant 0 : i32
    %c0_i32_0 = arith.constant 0 : i32
    %c0_i32_1 = arith.constant 0 : i32
    return %c0_i32, %c0_i32_0 : i32, i32
  }
  func.func @transform_2(%arg0: i32) -> (i32, i32) {
    %c0_i32 = arith.constant 0 : i32
    %c0_i32_0 = arith.constant 0 : i32
    %c0_i32_1 = arith.constant 0 : i32
    return %c0_i32, %c0_i32_0 : i32, i32
  }
  func.func @transform_3(%arg0: i32) -> (i32, i32) {
    %c0_i32 = arith.constant 0 : i32
    %c0_i32_0 = arith.constant 0 : i32
    return %arg0, %c0_i32 : i32, i32
  }
}

module attributes {stable_mosaic.version = 14 : i64} {
  func.func @_tc1_body(%arg0: i32, %arg1: memref<2000x128xf32, #tpu.memory_space<vmem>>, %arg2: memref<128x32xf32, #tpu.memory_space<vmem>>, %arg3: memref<32x128xf32, #tpu.memory_space<vmem>>, %arg4: memref<128x128xf32, #tpu.memory_space<vmem>>, %arg5: memref<1x128xf32, #tpu.memory_space<vmem>>, %arg6: memref<1x128xf32, #tpu.memory_space<vmem>>, %arg7: memref<1x128xf32, #tpu.memory_space<vmem>>, %arg8: memref<2000x128xf32, #tpu.memory_space<vmem>>) attributes {dimension_semantics = [#tpu.dimension_semantics<arbitrary>], iteration_bounds = array<i64: 5>, scalar_prefetch = 0 : i64, scratch_operands = 0 : i64, tpu.core_type = #tpu.core_type<tc>, window_params = [{transform_indices = @transform_0, window_bounds = array<i64: 2000, 128>}, {pipeline_mode = #tpu.pipeline_mode<synchronous>, transform_indices = @transform_1, window_bounds = array<i64: 128, 32>}, {pipeline_mode = #tpu.pipeline_mode<synchronous>, transform_indices = @transform_2, window_bounds = array<i64: 32, 128>}, {pipeline_mode = #tpu.pipeline_mode<synchronous>, transform_indices = @transform_3, window_bounds = array<i64: 128, 128>}, {pipeline_mode = #tpu.pipeline_mode<synchronous>, transform_indices = @transform_4, window_bounds = array<i64: 1, 128>}, {pipeline_mode = #tpu.pipeline_mode<synchronous>, transform_indices = @transform_5, window_bounds = array<i64: 1, 128>}, {pipeline_mode = #tpu.pipeline_mode<synchronous>, transform_indices = @transform_6, window_bounds = array<i64: 1, 128>}, {transform_indices = @transform_7, window_bounds = array<i64: 2000, 128>}]} {
    %get3A = arith.constant 0 : index
    %get3A_0 = arith.constant 0 : index
    %get3A_1 = vector.load %arg1[%get3A, %get3A_0] : memref<2000x128xf32, #tpu.memory_space<vmem>>, vector<2000x128xf32>
    %iota3A = tpu.iota {dimensions = array<i32: 1>} : vector<2000x128xi32>
    %slice3A = vector.extract_strided_slice %get3A_1 {offsets = [0, 0], sizes = [2000, 1], strides = [1, 1]} : vector<2000x128xf32> to vector<2000x1xf32>
    %convert_element_type3A = arith.fptosi %slice3A : vector<2000x1xf32> to vector<2000x1xi32>
    %eq3A = vector.broadcast %convert_element_type3A : vector<2000x1xi32> to vector<2000x128xi32>
    %eq3A_2 = arith.cmpi eq, %iota3A, %eq3A : vector<2000x128xi32>
    %convert_element_type3A_3 = arith.extui %eq3A_2 : vector<2000x128xi1> to vector<2000x128xi32>
    %convert_element_type3A_4 = arith.sitofp %convert_element_type3A_3 : vector<2000x128xi32> to vector<2000x128xf32>
    %get3A_5 = arith.constant 0 : index
    %get3A_6 = arith.constant 0 : index
    %get3A_7 = vector.load %arg2[%get3A_5, %get3A_6] : memref<128x32xf32, #tpu.memory_space<vmem>>, vector<128x32xf32>
    %get3A_8 = arith.constant 0 : index
    %get3A_9 = arith.constant 0 : index
    %get3A_10 = vector.load %arg3[%get3A_8, %get3A_9] : memref<32x128xf32, #tpu.memory_space<vmem>>, vector<32x128xf32>
    %dot_general3A = arith.constant dense<0.000000e+00> : vector<128x128xf32>
    %dot_general3A_11 = tpu.matmul %get3A_7, %get3A_10, %dot_general3A {dimension_numbers = #tpu.dot_dimension_numbers<[1], [0], [0], [1], [0, 0, 1, 1], [], []>, transpose_lhs_hint = false} : vector<128x32xf32>, vector<32x128xf32>, vector<128x128xf32> -> vector<128x128xf32>
    %eq3A_12 = arith.constant 0 : i32
    %eq3A_13 = vector.broadcast %eq3A_12 : i32 to vector<2000x128xi32>
    %eq3A_14 = arith.cmpi eq, %iota3A, %eq3A_13 : vector<2000x128xi32>
    %jit3A = arith.constant 0.000000e+00 : f32
    %broadcast_in_dim3A = vector.broadcast %jit3A : f32 to vector<2000x128xf32>
    %select_n3A = arith.select %eq3A_14, %broadcast_in_dim3A, %get3A_1 : vector<2000x128xi1>, vector<2000x128xf32>
    %dot_general3A_15 = arith.constant dense<0.000000e+00> : vector<2000x128xf32>
    %dot_general3A_16 = tpu.matmul %convert_element_type3A_4, %dot_general3A_11, %dot_general3A_15 {dimension_numbers = #tpu.dot_dimension_numbers<[1], [0], [0], [1], [0, 0, 1, 1], [], []>, transpose_lhs_hint = false} : vector<2000x128xf32>, vector<128x128xf32>, vector<2000x128xf32> -> vector<2000x128xf32>
    %get3A_17 = arith.constant 0 : index
    %get3A_18 = arith.constant 0 : index
    %get3A_19 = vector.load %arg4[%get3A_17, %get3A_18] : memref<128x128xf32, #tpu.memory_space<vmem>>, vector<128x128xf32>
    %dot_general3A_20 = arith.constant dense<0.000000e+00> : vector<2000x128xf32>
    %dot_general3A_21 = tpu.matmul %select_n3A, %get3A_19, %dot_general3A_20 {dimension_numbers = #tpu.dot_dimension_numbers<[1], [0], [0], [1], [0, 0, 1, 1], [], []>, transpose_lhs_hint = false} : vector<2000x128xf32>, vector<128x128xf32>, vector<2000x128xf32> -> vector<2000x128xf32>
    %add3A = arith.addf %dot_general3A_16, %dot_general3A_21 : vector<2000x128xf32>
    %get3A_22 = arith.constant 0 : index
    %get3A_23 = arith.constant 0 : index
    %get3A_24 = vector.load %arg5[%get3A_22, %get3A_23] : memref<1x128xf32, #tpu.memory_space<vmem>>, vector<1x128xf32>
    %add3A_25 = vector.broadcast %get3A_24 : vector<1x128xf32> to vector<2000x128xf32>
    %add3A_26 = arith.addf %add3A, %add3A_25 : vector<2000x128xf32>
    %get3A_27 = arith.constant 0 : index
    %get3A_28 = arith.constant 0 : index
    %get3A_29 = vector.load %arg6[%get3A_27, %get3A_28] : memref<1x128xf32, #tpu.memory_space<vmem>>, vector<1x128xf32>
    %get3A_30 = arith.constant 0 : index
    %get3A_31 = arith.constant 0 : index
    %get3A_32 = vector.load %arg7[%get3A_30, %get3A_31] : memref<1x128xf32, #tpu.memory_space<vmem>>, vector<1x128xf32>
    %neg3A = arith.constant 0.000000e+00 : f32
    %neg3A_33 = vector.broadcast %neg3A : f32 to vector<2000x128xf32>
    %neg3A_34 = arith.subf %neg3A_33, %add3A_26 : vector<2000x128xf32>
    %exp3A = math.exp %neg3A_34 : vector<2000x128xf32>
    %add3A_35 = arith.constant 1.000000e+00 : f32
    %add3A_36 = vector.broadcast %add3A_35 : f32 to vector<2000x128xf32>
    %add3A_37 = arith.addf %add3A_36, %exp3A : vector<2000x128xf32>
    %div3A = arith.constant 1.000000e+00 : f32
    %div3A_38 = vector.broadcast %div3A : f32 to vector<2000x128xf32>
    %div3A_39 = arith.divf %div3A_38, %add3A_37 : vector<2000x128xf32>
    %mul3A = arith.mulf %add3A_26, %div3A_39 : vector<2000x128xf32>
    %reduce_sum3A = arith.constant dense<0.000000e+00> : vector<2000xf32>
    %reduce_sum3A_40 = vector.multi_reduction <add>, %mul3A, %reduce_sum3A [1] : vector<2000x128xf32> to vector<2000xf32>
    %broadcast_in_dim3A_41 = vector.shape_cast %reduce_sum3A_40 : vector<2000xf32> to vector<2000x1xf32>
    %div3A_42 = arith.constant 1.280000e+02 : f32
    %div3A_43 = vector.broadcast %div3A_42 : f32 to vector<2000x1xf32>
    %div3A_44 = arith.divf %broadcast_in_dim3A_41, %div3A_43 : vector<2000x1xf32>
    %sub3A = vector.broadcast %div3A_44 : vector<2000x1xf32> to vector<2000x128xf32>
    %sub3A_45 = arith.subf %mul3A, %sub3A : vector<2000x128xf32>
    %sub3A_46 = vector.broadcast %div3A_44 : vector<2000x1xf32> to vector<2000x128xf32>
    %sub3A_47 = arith.subf %mul3A, %sub3A_46 : vector<2000x128xf32>
    %mul3A_48 = arith.mulf %sub3A_45, %sub3A_47 : vector<2000x128xf32>
    %reduce_sum3A_49 = arith.constant dense<0.000000e+00> : vector<2000xf32>
    %reduce_sum3A_50 = vector.multi_reduction <add>, %mul3A_48, %reduce_sum3A_49 [1] : vector<2000x128xf32> to vector<2000xf32>
    %broadcast_in_dim3A_51 = vector.shape_cast %reduce_sum3A_50 : vector<2000xf32> to vector<2000x1xf32>
    %div3A_52 = arith.constant 1.280000e+02 : f32
    %div3A_53 = vector.broadcast %div3A_52 : f32 to vector<2000x1xf32>
    %div3A_54 = arith.divf %broadcast_in_dim3A_51, %div3A_53 : vector<2000x1xf32>
    %sub3A_55 = vector.broadcast %div3A_44 : vector<2000x1xf32> to vector<2000x128xf32>
    %sub3A_56 = arith.subf %mul3A, %sub3A_55 : vector<2000x128xf32>
    %add3A_57 = arith.constant 9.99999974E-6 : f32
    %add3A_58 = vector.broadcast %add3A_57 : f32 to vector<2000x1xf32>
    %add3A_59 = arith.addf %div3A_54, %add3A_58 : vector<2000x1xf32>
    %rsqrt3A = math.rsqrt %add3A_59 : vector<2000x1xf32>
    %mul3A_60 = vector.broadcast %rsqrt3A : vector<2000x1xf32> to vector<2000x128xf32>
    %mul3A_61 = arith.mulf %sub3A_56, %mul3A_60 : vector<2000x128xf32>
    %mul3A_62 = vector.broadcast %get3A_29 : vector<1x128xf32> to vector<2000x128xf32>
    %mul3A_63 = arith.mulf %mul3A_61, %mul3A_62 : vector<2000x128xf32>
    %add3A_64 = vector.broadcast %get3A_32 : vector<1x128xf32> to vector<2000x128xf32>
    %add3A_65 = arith.addf %mul3A_63, %add3A_64 : vector<2000x128xf32>
    %swap3A = arith.constant 0 : index
    %swap3A_66 = arith.constant 0 : index
    %swap3A_67 = vector.load %arg8[%swap3A, %swap3A_66] : memref<2000x128xf32, #tpu.memory_space<vmem>>, vector<2000x128xf32>
    tpu.vector_store %arg8[%swap3A, %swap3A_66], %add3A_65 {strides = array<i32>} : memref<2000x128xf32, #tpu.memory_space<vmem>>, vector<2000x128xf32>,
    return
  }
  func.func @transform_0(%arg0: i32) -> (i32, i32) {
    %c0_i32 = arith.constant 0 : i32
    %c0_i32_0 = arith.constant 0 : i32
    return %arg0, %c0_i32 : i32, i32
  }
  func.func @transform_1(%arg0: i32) -> (i32, i32) {
    %c0_i32 = arith.constant 0 : i32
    %c0_i32_0 = arith.constant 0 : i32
    %c0_i32_1 = arith.constant 0 : i32
    return %c0_i32, %c0_i32_0 : i32, i32
  }
  func.func @transform_2(%arg0: i32) -> (i32, i32) {
    %c0_i32 = arith.constant 0 : i32
    %c0_i32_0 = arith.constant 0 : i32
    %c0_i32_1 = arith.constant 0 : i32
    return %c0_i32, %c0_i32_0 : i32, i32
  }
  func.func @transform_3(%arg0: i32) -> (i32, i32) {
    %c0_i32 = arith.constant 0 : i32
    %c0_i32_0 = arith.constant 0 : i32
    %c0_i32_1 = arith.constant 0 : i32
    return %c0_i32, %c0_i32_0 : i32, i32
  }
  func.func @transform_4(%arg0: i32) -> (i32, i32) {
    %c0_i32 = arith.constant 0 : i32
    %c0_i32_0 = arith.constant 0 : i32
    %c0_i32_1 = arith.constant 0 : i32
    return %c0_i32, %c0_i32_0 : i32, i32
  }
  func.func @transform_5(%arg0: i32) -> (i32, i32) {
    %c0_i32 = arith.constant 0 : i32
    %c0_i32_0 = arith.constant 0 : i32
    %c0_i32_1 = arith.constant 0 : i32
    return %c0_i32, %c0_i32_0 : i32, i32
  }
  func.func @transform_6(%arg0: i32) -> (i32, i32) {
    %c0_i32 = arith.constant 0 : i32
    %c0_i32_0 = arith.constant 0 : i32
    %c0_i32_1 = arith.constant 0 : i32
    return %c0_i32, %c0_i32_0 : i32, i32
  }
  func.func @transform_7(%arg0: i32) -> (i32, i32) {
    %c0_i32 = arith.constant 0 : i32
    %c0_i32_0 = arith.constant 0 : i32
    return %arg0, %c0_i32 : i32, i32
  }
}

module attributes {stable_mosaic.version = 14 : i64} {
  func.func @_tc2b_body(%arg0: i32, %arg1: memref<2000x128xf32, #tpu.memory_space<vmem>>, %arg2: memref<2x2000x128xf32, #tpu.memory_space<vmem>>, %arg3: memref<2x2000x16xf32, #tpu.memory_space<vmem>>, %arg4: memref<128x128xf32, #tpu.memory_space<vmem>>, %arg5: memref<1x128xf32, #tpu.memory_space<vmem>>, %arg6: memref<1x128xf32, #tpu.memory_space<vmem>>, %arg7: memref<1x128xf32, #tpu.memory_space<vmem>>, %arg8: memref<1x1xf32, #tpu.memory_space<vmem>>, %arg9: memref<2000x1xf32, #tpu.memory_space<vmem>>) attributes {dimension_semantics = [#tpu.dimension_semantics<arbitrary>], iteration_bounds = array<i64: 5>, scalar_prefetch = 0 : i64, scratch_operands = 0 : i64, tpu.core_type = #tpu.core_type<tc>, window_params = [{transform_indices = @transform_0, window_bounds = array<i64: 2000, 128>}, {transform_indices = @transform_1, window_bounds = array<i64: 2, 2000, 128>}, {transform_indices = @transform_2, window_bounds = array<i64: 2, 2000, 16>}, {pipeline_mode = #tpu.pipeline_mode<synchronous>, transform_indices = @transform_3, window_bounds = array<i64: 128, 128>}, {pipeline_mode = #tpu.pipeline_mode<synchronous>, transform_indices = @transform_4, window_bounds = array<i64: 1, 128>}, {pipeline_mode = #tpu.pipeline_mode<synchronous>, transform_indices = @transform_5, window_bounds = array<i64: 1, 128>}, {pipeline_mode = #tpu.pipeline_mode<synchronous>, transform_indices = @transform_6, window_bounds = array<i64: 1, 128>}, {pipeline_mode = #tpu.pipeline_mode<synchronous>, transform_indices = @transform_7, window_bounds = array<i64: 1, 1>}, {transform_indices = @transform_8, window_bounds = array<i64: 2000, 1>}]} {
    %get3A = arith.constant 0 : index
    %get3A_0 = arith.constant 0 : index
    %get3A_1 = arith.constant 0 : index
    %get3A_2 = vector.load %arg2[%get3A, %get3A_0, %get3A_1] : memref<2x2000x128xf32, #tpu.memory_space<vmem>>, vector<1x2000x128xf32>
    %get3A_3 = vector.shape_cast %get3A_2 : vector<1x2000x128xf32> to vector<2000x128xf32>
    %get3A_4 = arith.constant 1 : index
    %get3A_5 = arith.constant 0 : index
    %get3A_6 = arith.constant 0 : index
    %get3A_7 = vector.load %arg2[%get3A_4, %get3A_5, %get3A_6] : memref<2x2000x128xf32, #tpu.memory_space<vmem>>, vector<1x2000x128xf32>
    %get3A_8 = vector.shape_cast %get3A_7 : vector<1x2000x128xf32> to vector<2000x128xf32>
    %add3A = arith.addf %get3A_3, %get3A_8 : vector<2000x128xf32>
    %get3A_9 = arith.constant 0 : index
    %get3A_10 = arith.constant 0 : index
    %get3A_11 = arith.constant 0 : index
    %get3A_12 = vector.load %arg3[%get3A_9, %get3A_10, %get3A_11] : memref<2x2000x16xf32, #tpu.memory_space<vmem>>, vector<1x2000x1xf32>
    %get3A_13 = vector.shape_cast %get3A_12 : vector<1x2000x1xf32> to vector<2000x1xf32>
    %get3A_14 = arith.constant 1 : index
    %get3A_15 = arith.constant 0 : index
    %get3A_16 = arith.constant 0 : index
    %get3A_17 = vector.load %arg3[%get3A_14, %get3A_15, %get3A_16] : memref<2x2000x16xf32, #tpu.memory_space<vmem>>, vector<1x2000x1xf32>
    %get3A_18 = vector.shape_cast %get3A_17 : vector<1x2000x1xf32> to vector<2000x1xf32>
    %add3A_19 = arith.addf %get3A_13, %get3A_18 : vector<2000x1xf32>
    %max3A = arith.constant 1.000000e+00 : f32
    %max3A_20 = vector.broadcast %max3A : f32 to vector<2000x1xf32>
    %max3A_21 = arith.maximumf %add3A_19, %max3A_20 : vector<2000x1xf32>
    %div3A = vector.broadcast %max3A_21 : vector<2000x1xf32> to vector<2000x128xf32>
    %div3A_22 = arith.divf %add3A, %div3A : vector<2000x128xf32>
    %get3A_23 = arith.constant 0 : index
    %get3A_24 = arith.constant 0 : index
    %get3A_25 = vector.load %arg1[%get3A_23, %get3A_24] : memref<2000x128xf32, #tpu.memory_space<vmem>>, vector<2000x128xf32>
    %get3A_26 = arith.constant 0 : index
    %get3A_27 = arith.constant 0 : index
    %get3A_28 = vector.load %arg4[%get3A_26, %get3A_27] : memref<128x128xf32, #tpu.memory_space<vmem>>, vector<128x128xf32>
    %dot_general3A = arith.constant dense<0.000000e+00> : vector<2000x128xf32>
    %dot_general3A_29 = tpu.matmul %div3A_22, %get3A_28, %dot_general3A {dimension_numbers = #tpu.dot_dimension_numbers<[1], [0], [0], [1], [0, 0, 1, 1], [], []>, transpose_lhs_hint = false} : vector<2000x128xf32>, vector<128x128xf32>, vector<2000x128xf32> -> vector<2000x128xf32>
    %add3A_30 = arith.addf %get3A_25, %dot_general3A_29 : vector<2000x128xf32>
    %get3A_31 = arith.constant 0 : index
    %get3A_32 = arith.constant 0 : index
    %get3A_33 = vector.load %arg5[%get3A_31, %get3A_32] : memref<1x128xf32, #tpu.memory_space<vmem>>, vector<1x128xf32>
    %get3A_34 = arith.constant 0 : index
    %get3A_35 = arith.constant 0 : index
    %get3A_36 = vector.load %arg6[%get3A_34, %get3A_35] : memref<1x128xf32, #tpu.memory_space<vmem>>, vector<1x128xf32>
    %neg3A = arith.constant 0.000000e+00 : f32
    %neg3A_37 = vector.broadcast %neg3A : f32 to vector<2000x128xf32>
    %neg3A_38 = arith.subf %neg3A_37, %add3A_30 : vector<2000x128xf32>
    %exp3A = math.exp %neg3A_38 : vector<2000x128xf32>
    %add3A_39 = arith.constant 1.000000e+00 : f32
    %add3A_40 = vector.broadcast %add3A_39 : f32 to vector<2000x128xf32>
    %add3A_41 = arith.addf %add3A_40, %exp3A : vector<2000x128xf32>
    %div3A_42 = arith.constant 1.000000e+00 : f32
    %div3A_43 = vector.broadcast %div3A_42 : f32 to vector<2000x128xf32>
    %div3A_44 = arith.divf %div3A_43, %add3A_41 : vector<2000x128xf32>
    %mul3A = arith.mulf %add3A_30, %div3A_44 : vector<2000x128xf32>
    %reduce_sum3A = arith.constant dense<0.000000e+00> : vector<2000xf32>
    %reduce_sum3A_45 = vector.multi_reduction <add>, %mul3A, %reduce_sum3A [1] : vector<2000x128xf32> to vector<2000xf32>
    %broadcast_in_dim3A = vector.shape_cast %reduce_sum3A_45 : vector<2000xf32> to vector<2000x1xf32>
    %div3A_46 = arith.constant 1.280000e+02 : f32
    %div3A_47 = vector.broadcast %div3A_46 : f32 to vector<2000x1xf32>
    %div3A_48 = arith.divf %broadcast_in_dim3A, %div3A_47 : vector<2000x1xf32>
    %sub3A = vector.broadcast %div3A_48 : vector<2000x1xf32> to vector<2000x128xf32>
    %sub3A_49 = arith.subf %mul3A, %sub3A : vector<2000x128xf32>
    %sub3A_50 = vector.broadcast %div3A_48 : vector<2000x1xf32> to vector<2000x128xf32>
    %sub3A_51 = arith.subf %mul3A, %sub3A_50 : vector<2000x128xf32>
    %mul3A_52 = arith.mulf %sub3A_49, %sub3A_51 : vector<2000x128xf32>
    %reduce_sum3A_53 = arith.constant dense<0.000000e+00> : vector<2000xf32>
    %reduce_sum3A_54 = vector.multi_reduction <add>, %mul3A_52, %reduce_sum3A_53 [1] : vector<2000x128xf32> to vector<2000xf32>
    %broadcast_in_dim3A_55 = vector.shape_cast %reduce_sum3A_54 : vector<2000xf32> to vector<2000x1xf32>
    %div3A_56 = arith.constant 1.280000e+02 : f32
    %div3A_57 = vector.broadcast %div3A_56 : f32 to vector<2000x1xf32>
    %div3A_58 = arith.divf %broadcast_in_dim3A_55, %div3A_57 : vector<2000x1xf32>
    %sub3A_59 = vector.broadcast %div3A_48 : vector<2000x1xf32> to vector<2000x128xf32>
    %sub3A_60 = arith.subf %mul3A, %sub3A_59 : vector<2000x128xf32>
    %add3A_61 = arith.constant 9.99999974E-6 : f32
    %add3A_62 = vector.broadcast %add3A_61 : f32 to vector<2000x1xf32>
    %add3A_63 = arith.addf %div3A_58, %add3A_62 : vector<2000x1xf32>
    %rsqrt3A = math.rsqrt %add3A_63 : vector<2000x1xf32>
    %mul3A_64 = vector.broadcast %rsqrt3A : vector<2000x1xf32> to vector<2000x128xf32>
    %mul3A_65 = arith.mulf %sub3A_60, %mul3A_64 : vector<2000x128xf32>
    %mul3A_66 = vector.broadcast %get3A_33 : vector<1x128xf32> to vector<2000x128xf32>
    %mul3A_67 = arith.mulf %mul3A_65, %mul3A_66 : vector<2000x128xf32>
    %add3A_68 = vector.broadcast %get3A_36 : vector<1x128xf32> to vector<2000x128xf32>
    %add3A_69 = arith.addf %mul3A_67, %add3A_68 : vector<2000x128xf32>
    %get3A_70 = arith.constant 0 : index
    %get3A_71 = arith.constant 0 : index
    %get3A_72 = vector.load %arg7[%get3A_70, %get3A_71] : memref<1x128xf32, #tpu.memory_space<vmem>>, vector<1x128xf32>
    %mul3A_73 = vector.broadcast %get3A_72 : vector<1x128xf32> to vector<2000x128xf32>
    %mul3A_74 = arith.mulf %add3A_69, %mul3A_73 : vector<2000x128xf32>
    %reduce_sum3A_75 = arith.constant dense<0.000000e+00> : vector<2000xf32>
    %reduce_sum3A_76 = vector.multi_reduction <add>, %mul3A_74, %reduce_sum3A_75 [1] : vector<2000x128xf32> to vector<2000xf32>
    %broadcast_in_dim3A_77 = vector.shape_cast %reduce_sum3A_76 : vector<2000xf32> to vector<2000x1xf32>
    %get3A_78 = arith.constant 0 : index
    %get3A_79 = arith.constant 0 : index
    %get3A_80 = vector.load %arg8[%get3A_78, %get3A_79] : memref<1x1xf32, #tpu.memory_space<vmem>>, vector<1x1xf32>
    %add3A_81 = vector.broadcast %get3A_80 : vector<1x1xf32> to vector<2000x1xf32>
    %add3A_82 = arith.addf %broadcast_in_dim3A_77, %add3A_81 : vector<2000x1xf32>
    %swap3A = arith.constant 0 : index
    %swap3A_83 = arith.constant 0 : index
    %swap3A_84 = vector.load %arg9[%swap3A, %swap3A_83] : memref<2000x1xf32, #tpu.memory_space<vmem>>, vector<2000x1xf32>
    tpu.vector_store %arg9[%swap3A, %swap3A_83], %add3A_82 {strides = array<i32>} : memref<2000x1xf32, #tpu.memory_space<vmem>>, vector<2000x1xf32>,
    return
  }
  func.func @transform_0(%arg0: i32) -> (i32, i32) {
    %c0_i32 = arith.constant 0 : i32
    %c0_i32_0 = arith.constant 0 : i32
    return %arg0, %c0_i32 : i32, i32
  }
  func.func @transform_1(%arg0: i32) -> (i32, i32, i32) {
    %c0_i32 = arith.constant 0 : i32
    %c0_i32_0 = arith.constant 0 : i32
    %c0_i32_1 = arith.constant 0 : i32
    return %c0_i32, %arg0, %c0_i32_0 : i32, i32, i32
  }
  func.func @transform_2(%arg0: i32) -> (i32, i32, i32) {
    %c0_i32 = arith.constant 0 : i32
    %c0_i32_0 = arith.constant 0 : i32
    %c0_i32_1 = arith.constant 0 : i32
    return %c0_i32, %arg0, %c0_i32_0 : i32, i32, i32
  }
  func.func @transform_3(%arg0: i32) -> (i32, i32) {
    %c0_i32 = arith.constant 0 : i32
    %c0_i32_0 = arith.constant 0 : i32
    %c0_i32_1 = arith.constant 0 : i32
    return %c0_i32, %c0_i32_0 : i32, i32
  }
  func.func @transform_4(%arg0: i32) -> (i32, i32) {
    %c0_i32 = arith.constant 0 : i32
    %c0_i32_0 = arith.constant 0 : i32
    %c0_i32_1 = arith.constant 0 : i32
    return %c0_i32, %c0_i32_0 : i32, i32
  }
  func.func @transform_5(%arg0: i32) -> (i32, i32) {
    %c0_i32 = arith.constant 0 : i32
    %c0_i32_0 = arith.constant 0 : i32
    %c0_i32_1 = arith.constant 0 : i32
    return %c0_i32, %c0_i32_0 : i32, i32
  }
  func.func @transform_6(%arg0: i32) -> (i32, i32) {
    %c0_i32 = arith.constant 0 : i32
    %c0_i32_0 = arith.constant 0 : i32
    %c0_i32_1 = arith.constant 0 : i32
    return %c0_i32, %c0_i32_0 : i32, i32
  }
  func.func @transform_7(%arg0: i32) -> (i32, i32) {
    %c0_i32 = arith.constant 0 : i32
    %c0_i32_0 = arith.constant 0 : i32
    %c0_i32_1 = arith.constant 0 : i32
    return %c0_i32, %c0_i32_0 : i32, i32
  }
  func.func @transform_8(%arg0: i32) -> (i32, i32) {
    %c0_i32 = arith.constant 0 : i32
    %c0_i32_0 = arith.constant 0 : i32
    return %arg0, %c0_i32 : i32, i32
  }
}

</mosaic_0001>

<sc_bundles>
// kernel: kernel.10.cloned.1.call-start
scs
__scs_entry_jumppad:
0x0: {  	(pc) =	sbr.rel $0x88, $3  }
0x1: {  	(tag) =	ssettag $0x0;
	lr =	simm.s32 $0x1  }
0x2: {  	[smem:$0x3F94] =	sst lr;
	_ =	strace $0xD0000000  }
0x3: {  	_ = 	snop  }
0x4: {  	_ = 	snop  }
0x5: {  	_ = 	snop  }
0x6: {  	_ = 	snop  }
0x7: {  	_ = 	snop  }
__scs_overlays_trampoline_lowered:
0x8: {  	[smem:$0x3FA3] =	sst s0  }
0x9: {  	[smem:$0x3FA4] =	sst s1  }
0xa: {  	[smem:$0x3FA5] =	sst s2  }
0xb: {  	[smem:$0x3FA6] =	sst s3  }
0xc: {  	[smem:$0x3FA7] =	sst s4  }
0xd: {  	[smem:$0x3FA8] =	sst s5  }
0xe: {  	[smem:$0x3FA9] =	sst s6  }
0xf: {  	[smem:$0x3FAA] =	sst s7  }
0x10: {  	[smem:$0x3FAB] =	sst s8  }
0x11: {  	[smem:$0x3FAC] =	sst s9;
	s0 =	simm.s32 @!p0 $0x0  }
0x12: {  	s1 =	sld [smem:$0x3F92];
	s0 =	simm.s32 @p0 $0x1  }
0x13: {  	[smem:$0x3FAD] =	sst s0;
	s0 =	simm.s32 @!p1 $0x0  }
0x14: {  	s2 =	sld [smem:$0x3F91];
	s0 =	simm.s32 @p1 $0x1  }
0x15: {  	[smem:$0x3FAE] =	sst s0;
	s0 =	simm.s32 @!p2 $0x0  }
0x16: {  	s3 =	sld [smem:$0x3FDB];
	s0 =	simm.s32 @p2 $0x1  }
0x17: {  	s4 =	simm.s32 $0x1BF5;
	[smem:$0x3FB0] =	sst s0  }
0x18: {  	s0 =	sld [smem:$0x3F93];
	_ =	swait.ge [sflag:s4], $0x0  }
0x19: {  	s7 =	sld [smem:$0x3F94]  }
0x1a: {  	s8 =	sadd.s32 $0xFFFFE003, lr  }
0x1b: {  	s9 =	sadd.s32 $0xFFFFFEF7, lr;
	s5 =	simm.s32 $0xFFFFFFFF;
	p2 =	slt.u32 s8, $0xFFFFF086  }
0x1c: {  	p1 =	slt.u32 s9, $0xF7A;
	s5 =	simm.s32 @!p2 $0x0  }
0x1d: {  	s5 =	simm.s32 @p1 $0x1;
	p0 =	seq.s32 s7, s2  }
0x1e: {  	s7 =	smul.u32 @!p0 $0xF7A, s2;
	p2 =	seq.s32 @!p0 s5, $0x0  }
0x1f: {  	s9 =	smul.u32 $0xF7A, s1;
	s8 =	simm.s32 @!p0 $0x1BF5;
	p2 =	por !p2, p0  }
0x20: {  	[sflag:s8] =	ssyncset.s32 @!p0 $0xFFFFF086;
	s6 =	sadd.s32 @!p0 s3, s7;
	s7 =	simm.s32 @!p0 $0x108  }
0x21: {  	s3 =	sadd.s32 s3, s9;
	s6 =	sadd.s32 @!p0 $0x88, s6;
	s7 =	simm.s32 @p2 $0x1082  }
0x22: {  	[simem:s7], [sflag:s8] =	dma.local @!p0 [hbm:s6], $0xF7A  }
0x23: {  	s9 =	sor.u32 $0xD0000000, s2;
	s6 =	simm.s32 $0x108;
	_ =	swait.ge @!p0 [sflag:s8], $0x0  }
0x24: {  	s3 =	sadd.s32 $0x88, s3;
	s6 =	simm.s32 @!p1 $0x1082;
	[sflag:s4] =	ssyncset.s32 $0xFFFFF086  }
0x25: {  	[simem:s6], [sflag:s4] =	dma.local [hbm:s3], $0xF7A  }
0x26: {  	[smem:$0x3F94] =	sst s1;
	(tag) =	ssettag s2;
	_ =	strace s9  }
0x27: {  	s1 =	sld [smem:$0x3FA4]  }
0x28: {  	s2 =	sld [smem:$0x3FA5]  }
0x29: {  	s4 =	sld [smem:$0x3FA7]  }
0x2a: {  	p0 =	seq.s32 s5, $0x0;
	s5 =	sld [smem:$0x3FA8]  }
0x2b: {  	s6 =	sld [smem:$0x3FA9]  }
0x2c: {  	s7 =	sld [smem:$0x3FAA]  }
0x2d: {  	s3 =	simm.s32 $0x108;
	s8 =	sld [smem:$0x3FAB]  }
0x2e: {  	s3 =	simm.s32 @!p0 $0x1082;
	s9 =	sld [smem:$0x3FAC]  }
0x2f: {  	lr =	sadd.s32 s0, s3;
	s0 =	sld [smem:$0x3FA3]  }
0x30: {  	s3 =	sld [smem:$0x3FA6]  }
0x31: {  	[smem:$0x3FAF] =	sst s10  }
0x32: {  	s10 =	sld [smem:$0x3FAD];
	_ =	sdelay $0x3  }
0x33: {  	p0 =	seq.s32 s10, $0x1;
	s10 =	sld [smem:$0x3FAF];
	_ =	sdelay $0x3  }
0x34: {  	[smem:$0x3FAF] =	sst s10  }
0x35: {  	s10 =	sld [smem:$0x3FAE];
	_ =	sdelay $0x3  }
0x36: {  	p1 =	seq.s32 s10, $0x1;
	s10 =	sld [smem:$0x3FAF];
	_ =	sdelay $0x3  }
0x37: {  	[smem:$0x3FAF] =	sst s10  }
0x38: {  	s10 =	sld [smem:$0x3FB0]  }
0x39: {  	_ = 	snop;
	(pc) =	sbr.ind lr, $3  }
0x3a: {  	_ = 	snop  }
0x3b: {  	_ = 	snop  }
0x3c: {  	p2 =	seq.s32 s10, $0x1;
	s10 =	sld [smem:$0x3FAF]  }
0x3d: {  	_ =	shalt  }
0x3e: {  	_ =	shalt  }
0x3f: {  	_ =	shalt  }
0x40: {  	_ =	shalt  }
0x41: {  	_ =	shalt  }
0x42: {  	_ =	shalt  }
0x43: {  	_ =	shalt  }
0x44: {  	_ =	shalt  }
0x45: {  	_ =	shalt  }
0x46: {  	_ =	shalt  }
0x47: {  	_ =	shalt  }
0x48: {  	_ =	shalt  }
0x49: {  	_ =	shalt  }
0x4a: {  	_ =	shalt  }
0x4b: {  	_ =	shalt  }
0x4c: {  	_ =	shalt  }
0x4d: {  	_ =	shalt  }
0x4e: {  	_ =	shalt  }
0x4f: {  	_ =	shalt  }
0x50: {  	_ =	shalt  }
0x51: {  	_ =	shalt  }
0x52: {  	_ =	shalt  }
0x53: {  	_ =	shalt  }
0x54: {  	_ =	shalt  }
0x55: {  	_ =	shalt  }
0x56: {  	_ =	shalt  }
0x57: {  	_ =	shalt  }
0x58: {  	_ =	shalt  }
0x59: {  	_ =	shalt  }
0x5a: {  	_ =	shalt  }
0x5b: {  	_ =	shalt  }
0x5c: {  	_ =	shalt  }
0x5d: {  	_ =	shalt  }
0x5e: {  	_ =	shalt  }
0x5f: {  	_ =	shalt  }
0x60: {  	_ =	shalt  }
0x61: {  	_ =	shalt  }
0x62: {  	_ =	shalt  }
0x63: {  	_ =	shalt  }
0x64: {  	_ =	shalt  }
0x65: {  	_ =	shalt  }
0x66: {  	_ =	shalt  }
0x67: {  	_ =	shalt  }
0x68: {  	_ =	shalt  }
0x69: {  	_ =	shalt  }
0x6a: {  	_ =	shalt  }
0x6b: {  	_ =	shalt  }
0x6c: {  	_ =	shalt  }
0x6d: {  	_ =	shalt  }
0x6e: {  	_ =	shalt  }
0x6f: {  	_ =	shalt  }
0x70: {  	_ =	shalt  }
0x71: {  	_ =	shalt  }
0x72: {  	_ =	shalt  }
0x73: {  	_ =	shalt  }
0x74: {  	_ =	shalt  }
0x75: {  	_ =	shalt  }
0x76: {  	_ =	shalt  }
0x77: {  	_ =	shalt  }
0x78: {  	_ =	shalt  }
0x79: {  	_ =	shalt  }
0x7a: {  	_ =	shalt  }
0x7b: {  	_ =	shalt  }
0x7c: {  	_ =	shalt  }
0x7d: {  	_ =	shalt  }
0x7e: {  	_ =	shalt  }
0x7f: {  	_ =	shalt  }
0x80: {  	_ =	shalt  }
0x81: {  	_ =	shalt  }
0x82: {  	_ =	shalt  }
0x83: {  	_ =	shalt  }
0x84: {  	_ =	shalt  }
0x85: {  	_ =	shalt  }
0x86: {  	_ =	shalt  }
0x87: {  	_ =	shalt  }
.Lfunc_end0:
.L_simem_size_0:
called_computation.1_lowered:
.L_overlay_start_0:
0x88: {  	s2 =	sld [smem:$0x3FD9]  }
0x89: {  	s3 =	sld [smem:$0x3FFE];
	_ =	sdelay $0x1  }
0x8a: {  	s1 =	srdreg.scid  }
0x8b: {  	s0 =	sand.u32 $0x1, s1  }
0x8c: {  	s17 =	sshll.u32 s0, $0xA;
	s2 =	sadd.s32 s3, s2  }
0x8d: {  	s2 =	sadd.s32 s2, s17  }
0x8e: {  	[smem:$0x3FBB] =	sst s2  }
0x8f: {  	_ = 	snop  }
0x90: {  	(tm) =	ssettm $0x1  }
0x91: {  	s18 =	sld [smem:$0x3FFB];
	_ =	sdelay $0x3  }
0x92: {  	_ =	strace s18  }
0x93: {  	s2 =	sld [smem:$0x3FFC];
	_ =	sdelay $0x3  }
0x94: {  	_ =	strace s2  }
0x95: {  	s2 =	sld [smem:$0x3FFD];
	_ =	sdelay $0x3  }
0x96: {  	_ =	strace s2  }
0x97: {  	_ =	strace $0x8FFFFFFF  }
0x98: {  	s19 =	sld [smem:$0x3FDB];
	_ =	sdelay $0x1  }
0x99: {  	s20 =	simm.s32 $_scs_section_size  }
0x9a: {  	s4 =	simm.s32 $_size__tile_overlayer_lowered;
	s5 =	simm.s32 $_tile_overlayer_lowered  }
0x9b: {  	s6 =	simm.s32 $0x1BFF;
	s21 =	sshll.u32 s5, $0x1;
	s3 =	sadd.s32 s20, s19  }
0x9c: {  	s22 =	simm.s32 $0x0;
	s4 =	sshll.u32 s4, $0x1;
	s5 =	sadd.s32 s21, s3  }
0x9d: {  	[timem:s22], [sflag:s6] =	dma.local [hbm:s5], s4  }
0x9e: {  	_ =	swait.ge [sflag:s6], s4  }
0x9f: {  	s4 =	ssub.s32 $0x0, s4;
	[sflag:s6] =	ssyncset.done $0x0  }
0xa0: {  	[sflag:s6] =	ssyncadd.s32 s4;
	_ =	sdelay $0x1  }
0xa1: {  	s23 =	simm.s32 $0x1B8B  }
0xa2: {  	_ =	swait.ge [sflag:s23], $0x1  }
0xa3: {  	[sflag:s23] =	ssyncset.done $0x0  }
0xa4: {  	[sflag:s23] =	ssyncadd.s32 $0xFFFFFFFF  }
0xa5: {  	s4 =	sld [smem:$0x0]  }
0xa6: {  	s5 =	sand.u32 $0xFFFFFFFE, s1  }
0xa7: {  	p0 =	sne.s32 s1, s5  }
0xa8: {  	s5 =	sshll.u32 @p0 s5, $0xE  }
0xa9: {  	s5 =	sadd.s32 @p0 $0x11B8D, s5;
	s6 =	sshll.u32 @p0 s4, $0x11  }
0xaa: {  	s5 =	sor.u32 @p0 s6, s5  }
0xab: {  	[sflag:s5] =	ssyncadd.remote.s32 @p0 $0x1;
	_ =	sdelay $0x1  }
0xac: {  	s5 =	simm.s32 @p0 $0x1B8D  }
0xad: {  	_ =	swait.eq @p0 [sflag:s5], $0x1  }
0xae: {  	[sflag:s5] =	ssyncadd.s32 @p0 $0xFFFFFFFF  }
0xaf: {  	s6 =	sshll.u32 @!p0 s1, $0xE  }
0xb0: {  	s6 =	sor.u32 @!p0 $0x4000, s6;
	s5 =	simm.s32 @!p0 $0x1B8D  }
0xb1: {  	s4 =	sshll.u32 @!p0 s4, $0x11;
	s6 =	sadd.s32 @!p0 $0x11B8D, s6;
	_ =	swait.eq @!p0 [sflag:s5], $0x1  }
0xb2: {  	s4 =	sor.u32 @!p0 s4, s6;
	[sflag:s5] =	ssyncadd.s32 @!p0 $0xFFFFFFFF  }
0xb3: {  	s25 =	simm.s32 $0x1B8E;
	s24 =	sld [smem:$0x3FFE];
	[sflag:s4] =	ssyncadd.remote.s32 @!p0 $0x1  }
0xb4: {  	s26 =	simm.s32 $execute0_lowered;
	[smem:$0x3FD2] =	sst s25  }
0xb5: {  	s5 =	sshll.u32 s26, $0x1;
	_ =	strace $0x80000049;
	[dreg:$0x1] =	wrdreg $0xFFFFFFFF  }
0xb6: {  	s28 =	simm.s32 $_size_execute0_lowered;
	s3 =	sadd.s32 s3, s5;
	[dreg:$0x0] =	wrdreg $0x0  }
0xb7: {  	s5 =	sshll.u32 s28, $0x1;
	[dreg:$0x2] =	wrdreg s3  }
0xb8: {  	[dreg:$0x3] =	wrdreg s5  }
0xb9: {  	[dreg:$0x4] =	wrdreg $0xC0  }
0xba: {  	_ =	task [dreg:s22], $0x5FFFF  }
0xbb: {  	[dreg:$0x1] =	wrdreg $0xFFFFFFFF  }
0xbc: {  	[dreg:$0x0] =	wrdreg $0x60  }
0xbd: {  	[dreg:$0x2] =	wrdreg s24  }
0xbe: {  	[dreg:$0x3] =	wrdreg $0xA8000  }
0xbf: {  	[dreg:$0x4] =	wrdreg $0xA  }
0xc0: {  	_ =	task.clear_ibuf [dreg:s22], $0x5FFFF;
	_ =	strace $0x90000049  }
0xc1: {  	s29 =	simm.s32 $0xA;
	_ =	strace $0x8000004B  }
0xc2: {  	_ =	swait.ge [sflag:s29], $0x1  }
0xc3: {  	[sflag:s29] =	ssyncadd.s32 $0xFFFFFFFF  }
0xc4: {  	_ =	strace $0x9000004B  }
0xc5: {  	_ =	sfence  }
0xc6: {  	s30 =	sld [smem:$0x0];
	_ =	sdelay $0x2  }
0xc7: {  	s31 =	sshll.u32 s1, $0xD;
	s1 =	sshrl.u32 s1, $0x2  }
0xc8: {  	s4 =	sand.u32 $0x4000, s31;
	s1 =	sadd.s32 s1, s30  }
0xc9: {  	s0 =	sor.u32 s4, s0;
	s1 =	sshll.u32 s1, $0x11  }
0xca: {  	s0 =	sor.u32 s1, s0  }
0xcb: {  	s0 =	sadd.s32 $0x8F2B, s0  }
0xcc: {  	[sflag:s0] =	ssyncadd.remote.s32 $0x1  }
0xcd: {  	_ =	sfence.sel $0xFFFF  }
0xce: {  	[dreg:$0x0] =	wrdreg $0xFFFFFFFF;
	(pc) =	sbr.abs _section_cstart, $3  }
0xcf: {  	[dreg:$0x1] =	wrdreg $0xFFFFFFFF  }
0xd0: {  	_ =	task.clear_ibuf [dreg:s22], $0x2FFFF;
	_ =	strace $0x9FFFFFFF  }
0xd1: {  	(tm) =	ssettm $0x7FFFFFFF  }
tec
execute0_lowered:
.L_overlay_start_1:
0x0: {  	(tag) =	ssettag $0x1  }
0x1: {  	s0 =	rddreg [dreg:$0x0]  }
0x2: {  	s2 =	rddreg [dreg:$0x1]  }
0x3: {  	s3 =	simm.s32 $0x0;
	s1 =	srdreg.scid;
	s10 =	stileid.u32  }
0x4: {  	s28 =	simm.s32 $0x2800;
	s29 =	simm.s32 $0x80;
	s30 =	simm.s32 $0x6800  }
0x5: {  	s31 =	simm.s32 $0x2;
	[smem:$0x7FF] =	sst s3;
	s1 =	sand.u32 $0x1, s1  }
0x6: {  	s5 =	sshll.u32 s10, $0x1;
	s4 =	sadd.s32 $0x20C00, s0;
	s6 =	sadd.s32 $0x2A00, s0  }
0x7: {  	s9 =	sadd.s32 $0xCA00, s0;
	s8 =	sadd.s32 $0x47E00, s0;
	s0 =	sadd.s32 $0x48600, s0  }
0x8: {  	_ =	strace $0x8000004A;
	s5 =	sor.u32 s1, s5;
	s7 =	ssub.s32 $0x2, s1  }
0x9: {  	[dreg:$0x3] =	wrdreg s8;
	s5 =	smul.u32 $0x2800, s5;
	s11 =	sshrl.u32 s7, $0x1  }
0xa: {  	s1 =	smul.u32 $0x140000, s1;
	s7 =	ssub.s32 s7, s11;
	s11 =	sshll.u32 s10, $0xE  }
0xb: {  	s5 =	sshrl.u32 s5, $0x3;
	s8 =	sadd.s32 s11, s2;
	s14 =	smax.u32 s7, $0x1  }
0xc: {  	s17 =	sor.u32 s1, s11;
	s19 =	sor.u32 $0x40000, s11;
	s22 =	sor.u32 $0x80000, s11  }
0xd: {  	s24 =	sor.u32 $0xC0000, s11;
	s25 =	sor.u32 $0x100000, s11;
	s12 =	sadd.s32 s6, s5  }
0xe: {  	s13 =	sadd.s32 s9, s5;
	s5 =	sadd.s32 $0x280, s5;
	[dreg:$0x6] =	wrdreg s14  }
0xf: {  	s15 =	sadd.s32 $0x40000, s8;
	s16 =	sadd.s32 $0x80000, s8;
	[dreg:$0x4] =	wrdreg s12  }
0x10: {  	s18 =	sadd.s32 $0xC0000, s8;
	s20 =	sadd.s32 $0x100000, s8;
	[dreg:$0x5] =	wrdreg s13  }
0x11: {  	s21 =	sadd.s32 s1, s19;
	s23 =	sadd.s32 s1, s22;
	[dreg:$0x7] =	wrdreg s15  }
0x12: {  	s26 =	sadd.s32 s1, s24;
	s1 =	sadd.s32 s1, s25;
	[dreg:$0x8] =	wrdreg s16  }
0x13: {  	s9 =	sadd.s32 s9, s5;
	s10 =	sadd.s32 s6, s5;
	[dreg:$0x9] =	wrdreg s18  }
0x14: {  	s5 =	sshrl.u32 s17, $0x3;
	[dreg:$0xa] =	wrdreg s20;
	s17 =	sadd.s32 s19, s2  }
0x15: {  	s19 =	sadd.s32 s22, s2;
	s1 =	sshrl.u32 s1, $0x3;
	s6 =	simm.s32 $0x0  }
0x16: {  	s16 =	sadd.s32 s0, s5;
	s5 =	sshrl.u32 s21, $0x3;
	s21 =	sadd.s32 s24, s2  }
0x17: {  	s24 =	sadd.s32 s0, s1;
	s1 =	simm.s32 $0x1;
	s18 =	sadd.s32 s0, s5  }
0x18: {  	s5 =	sshrl.u32 s23, $0x3;
	s23 =	sadd.s32 s25, s2;
	s25 =	simm.s32 $0x5  }
0x19: {  	s20 =	sadd.s32 s0, s5;
	s5 =	sshrl.u32 s26, $0x3;
	s26 =	simm.s32 $0x1400  }
0x1a: {  	s22 =	sadd.s32 s0, s5;
	s0 =	simm.s32 $0x4;
	s5 =	simm.s32 $0x3  }
.LBB2_1:
0x1b: {  	s7 =	rddreg [dreg:$0x4]  }
0x1c: {  	[tilespmem:s3], [sflag:$0x5] =	stream.linear.gather [hbm4b:s7+s3], $0x1400, $0x38;
	[tilespmem:$0x1E800] =	vst v63  }
0x1d: {  	_ =	swait.ge [sflag:s25], $0x1400  }
0x1e: {  	[sflag:s25] =	ssyncset.done $0x0  }
0x1f: {  	s13 =	rddreg [dreg:$0x5];
	[sflag:s25] =	ssyncadd.s32 $0xFFFFEC00  }
0x20: {  	[tilespmem:s26], [sflag:$0x5] =	stream.linear.gather [hbm4b:s13+s3], $0x1400, $0x38;
	[tilespmem:$0x1E800] =	vst v63  }
0x21: {  	_ =	swait.ge [sflag:s25], $0x1400  }
0x22: {  	[sflag:s25] =	ssyncset.done $0x0  }
0x23: {  	s14 =	rddreg [dreg:$0x3];
	[sflag:s25] =	ssyncadd.s32 $0xFFFFEC00  }
0x24: {  	[tilespmem:s28], [sflag:$0x5] =	stream.linear.gather [hbm4b:s14+s3], $0x4000, $0x38;
	[tilespmem:$0x1E800] =	vst v63  }
0x25: {  	_ =	swait.ge [sflag:s25], $0x4000  }
0x26: {  	[sflag:s25] =	ssyncset.done $0x0  }
0x27: {  	[sflag:s25] =	ssyncadd.s32 $0xFFFFC000  }
0x28: {  	[spmem:s8] =	stream.linear.scatter [tilespmem:s28], [sflag:$0x5], $0x4000, $0x38;
	[tilespmem:$0x1E800] =	vst v63  }
0x29: {  	_ =	swait.ge [sflag:s25], $0x4000  }
0x2a: {  	[sflag:s25] =	ssyncset.done $0x0  }
0x2b: {  	s15 =	rddreg [dreg:$0x7];
	[sflag:s25] =	ssyncadd.s32 $0xFFFFC000  }
0x2c: {  	[spmem:s15] =	stream.linear.scatter [tilespmem:s28], [sflag:$0x5], $0x4000, $0x38;
	[tilespmem:$0x1E800] =	vst v63  }
0x2d: {  	_ =	swait.ge [sflag:s25], $0x4000  }
0x2e: {  	[sflag:s25] =	ssyncset.done $0x0  }
0x2f: {  	s11 =	rddreg [dreg:$0x8];
	[sflag:s25] =	ssyncadd.s32 $0xFFFFC000  }
0x30: {  	[spmem:s11] =	stream.linear.scatter [tilespmem:s28], [sflag:$0x5], $0x4000, $0x38;
	[tilespmem:$0x1E800] =	vst v63  }
0x31: {  	_ =	swait.ge [sflag:s25], $0x4000  }
0x32: {  	[sflag:s25] =	ssyncset.done $0x0  }
0x33: {  	s12 =	rddreg [dreg:$0x9];
	[sflag:s25] =	ssyncadd.s32 $0xFFFFC000  }
0x34: {  	[spmem:s12] =	stream.linear.scatter [tilespmem:s28], [sflag:$0x5], $0x4000, $0x38;
	[tilespmem:$0x1E800] =	vst v63  }
0x35: {  	_ =	swait.ge [sflag:s25], $0x4000  }
0x36: {  	[sflag:s25] =	ssyncset.done $0x0  }
0x37: {  	s13 =	rddreg [dreg:$0xa];
	[sflag:s25] =	ssyncadd.s32 $0xFFFFC000  }
0x38: {  	[spmem:s13] =	stream.linear.scatter [tilespmem:s28], [sflag:$0x5], $0x4000, $0x38;
	[tilespmem:$0x1E800] =	vst v63  }
0x39: {  	_ =	swait.ge [sflag:s25], $0x4000  }
0x3a: {  	[sflag:s25] =	ssyncset.done $0x0  }
0x3b: {  	[sflag:s25] =	ssyncadd.s32 $0xFFFFC000  }
0x3c: {  	[bflag:$0x0] =	sbarrier.arrive $0xFFFF  }
0x3d: {  	[tilespmem:s28], [sflag:$0x1] =	stream.indirect.gather [hbm4b:s4+s29], $0x80, s3, s29, $0xb8;
	[tilespmem:$0x1E800] =	vst v63  }
0x3e: {  	_ = 	snop  }
0x3f: {  	[tilespmem:s30], [sflag:$0x2] =	stream.indirect.gather [hbm4b:s4+s29], $0x80, s29, s29, $0xb8;
	[tilespmem:$0x1E800] =	vst v63  }
0x40: {  	_ =	swait.ge [sflag:s1], $0x4000  }
0x41: {  	[sflag:s1] =	ssyncset.done $0x0  }
0x42: {  	[sflag:s1] =	ssyncadd.s32 $0xFFFFC000  }
0x43: {  	[spmem:s2] =	stream.indirect.scatter.add.f32 [tilespmem:s28], [sflag:$0x3], $0x80, s26, s29, $0xb8;
	[tilespmem:$0x1E800] =	vst v63  }
0x44: {  	_ =	swait.ge [sflag:s31], $0x4000  }
0x45: {  	[sflag:s31] =	ssyncset.done $0x0  }
0x46: {  	s14 =	simm.s32 $0x1480;
	[sflag:s31] =	ssyncadd.s32 $0xFFFFC000  }
0x47: {  	[spmem:s2] =	stream.indirect.scatter.add.f32 [tilespmem:s30], [sflag:$0x4], $0x80, s14, s29, $0xb8;
	[tilespmem:$0x1E800] =	vst v63  }
.Ltmp0:
0x48: {  	_ =	swait.ge [sflag:s5], $0x4000;
	(pc) =	sbr.rel .LBB2_2-.Ltmp0, $4  }
0x49: {  	[sflag:s5] =	ssyncset.done $0x0  }
0x4a: {  	s15 =	simm.s32 $0x100;
	[sflag:s5] =	ssyncadd.s32 $0xFFFFC000  }
0x4b: {  	[tilespmem:s28], [sflag:$0x1] =	stream.indirect.gather [hbm4b:s4+s29], $0x80, s15, s29, $0xb8;
	[tilespmem:$0x1E800] =	vst v63  }
0x4c: {  	s7 =	simm.s32 $0xFFFFED00;
	s12 =	simm.s32 $0x1;
	s15 =	simm.s32 $0x3  }
.LBB2_6:
0x4d: {  	[tilespmem:s3], [sflag:$0x5] =	stream.linear.gather [hbm4b:s10+s3], $0x1400, $0x38;
	[tilespmem:$0x1E800] =	vst v63  }
0x4e: {  	_ =	swait.ge [sflag:s25], $0x1400  }
0x4f: {  	[sflag:s25] =	ssyncset.done $0x0  }
0x50: {  	[sflag:s25] =	ssyncadd.s32 $0xFFFFEC00  }
.LBB2_7:
0x51: {  	p0 =	sgt.u32 s12, $0x12;
	s11 =	simm.s32 $0x7FFFDA  }
0x52: {  	s11 =	simm.s32 @!p0 $0x2  }
0x53: {  	s11 =	sadd.s32 s15, s11  }
0x54: {  	_ =	swait.ge [sflag:s5], $0x4000;
	s12 =	sadd.s32 $0x1, s12;
	s11 =	sshll.u32 s11, $0x9  }
0x55: {  	s7 =	sadd.s32 $0x100, s7;
	[sflag:s5] =	ssyncset.done $0x0;
	s11 =	sadd.s32 $0xFFFFFE00, s11  }
0x56: {  	[sflag:s5] =	ssyncadd.s32 $0xFFFFC000;
	s15 =	sadd.s32 $0x2, s15;
	s11 =	sshra.s32 s11, $0x2  }
0x57: {  	[tilespmem:s28], [sflag:$0x1] =	stream.indirect.gather [hbm4b:s4+s29], $0x80, s11, s29, $0xb8;
	[tilespmem:$0x1E800] =	vst v63  }
.LBB2_2:
0x58: {  	_ =	swait.ge [sflag:s0], $0x4000  }
0x59: {  	p0 =	sne.s32 s7, $0x0;
	[sflag:s0] =	ssyncset.done $0x0  }
0x5a: {  	s13 =	simm.s32 @!p0 $0x0;
	s14 =	simm.s32 @!p0 $0x1400;
	[sflag:s0] =	ssyncadd.s32 $0xFFFFC000  }
0x5b: {  	[tilespmem:s14], [sflag:$0x5] =	stream.linear.gather @!p0 [hbm4b:s9+s13], $0x1400, $0x38;
	[tilespmem:$0x1E800] =	vst v63  }
0x5c: {  	p1 =	sgt.u32 s12, $0x13;
	s13 =	simm.s32 @!p0 $0x5  }
0x5d: {  	s11 =	smov.u32 s15;
	s14 =	sadd.s32 $0xFFFFFFD8, s15;
	_ =	swait.ge @!p0 [sflag:s13], $0x1400  }
0x5e: {  	s11 =	smov.u32 @p1 s14;
	[sflag:s13] =	ssyncset.done @!p0 $0x0  }
0x5f: {  	s11 =	sshll.u32 s11, $0x7;
	[sflag:s13] =	ssyncadd.s32 @!p0 $0xFFFFEC00  }
0x60: {  	[tilespmem:s30], [sflag:$0x2] =	stream.indirect.gather [hbm4b:s4+s29], $0x80, s11, s29, $0xb8;
	[tilespmem:$0x1E800] =	vst v63  }
0x61: {  	s13 =	sadd.s32 $0x1400, s7;
	_ =	swait.ge [sflag:s1], $0x4000  }
0x62: {  	s13 =	smov.u32 @p1 s7;
	[sflag:s1] =	ssyncset.done $0x0  }
0x63: {  	p0 =	seq.s32 s12, $0x13;
	s13 =	sadd.s32 $0x1400, s13;
	[sflag:s1] =	ssyncadd.s32 $0xFFFFC000  }
0x64: {  	[spmem:s2] =	stream.indirect.scatter.add.f32 [tilespmem:s28], [sflag:$0x3], $0x80, s13, s29, $0xb8;
	[tilespmem:$0x1E800] =	vst v63  }
.Ltmp1:
0x65: {  	_ = 	snop;
	(pc) =	sbr.rel @p0 .LBB2_6-.Ltmp1, $4  }
0x66: {  	_ =	swait.ge [sflag:s31], $0x4000  }
0x67: {  	[sflag:s31] =	ssyncset.done $0x0  }
0x68: {  	s11 =	sadd.s32 $0x1400, s11;
	[sflag:s31] =	ssyncadd.s32 $0xFFFFC000  }
0x69: {  	[spmem:s2] =	stream.indirect.scatter.add.f32 [tilespmem:s30], [sflag:$0x4], $0x80, s11, s29, $0xb8;
	[tilespmem:$0x1E800] =	vst v63  }
0x6a: {  	p0 =	seq.s32 s12, $0x27  }
.Ltmp2:
0x6b: {  	_ = 	snop;
	(pc) =	sbr.rel @!p0 .LBB2_7-.Ltmp2, $1  }
0x6c: {  	_ =	sdelay $0x3  }
0x6d: {  	_ =	swait.ge [sflag:s5], $0x4000  }
0x6e: {  	[sflag:s5] =	ssyncset.done $0x0  }
0x6f: {  	[sflag:s5] =	ssyncadd.s32 $0xFFFFC000  }
0x70: {  	_ =	swait.ge [sflag:s0], $0x4000  }
0x71: {  	[sflag:s0] =	ssyncset.done $0x0  }
0x72: {  	[sflag:s0] =	ssyncadd.s32 $0xFFFFC000  }
0x73: {  	[bflag:$0x0] =	sbarrier.arrive $0xFFFF  }
0x74: {  	[tilespmem:s28], [sflag:$0x5] =	stream.linear.gather [spmem:s8], $0x4000, $0x38;
	[tilespmem:$0x1E800] =	vst v63  }
0x75: {  	_ =	swait.ge [sflag:s25], $0x4000  }
0x76: {  	[sflag:s25] =	ssyncset.done $0x0  }
0x77: {  	[sflag:s25] =	ssyncadd.s32 $0xFFFFC000  }
0x78: {  	[hbm4b:s16+s3] =	stream.linear.scatter [tilespmem:s28], [sflag:$0x5], $0x4000, $0x38;
	[tilespmem:$0x1E800] =	vst v63  }
0x79: {  	_ =	swait.ge [sflag:s25], $0x4000  }
0x7a: {  	[sflag:s25] =	ssyncset.done $0x0  }
0x7b: {  	[sflag:s25] =	ssyncadd.s32 $0xFFFFC000  }
0x7c: {  	[tilespmem:s28], [sflag:$0x5] =	stream.linear.gather [spmem:s17], $0x4000, $0x38;
	[tilespmem:$0x1E800] =	vst v63  }
0x7d: {  	_ =	swait.ge [sflag:s25], $0x4000  }
0x7e: {  	[sflag:s25] =	ssyncset.done $0x0  }
0x7f: {  	[sflag:s25] =	ssyncadd.s32 $0xFFFFC000  }
0x80: {  	[hbm4b:s18+s3] =	stream.linear.scatter [tilespmem:s28], [sflag:$0x5], $0x4000, $0x38;
	[tilespmem:$0x1E800] =	vst v63  }
0x81: {  	_ =	swait.ge [sflag:s25], $0x4000  }
0x82: {  	[sflag:s25] =	ssyncset.done $0x0  }
0x83: {  	[sflag:s25] =	ssyncadd.s32 $0xFFFFC000  }
0x84: {  	[tilespmem:s28], [sflag:$0x5] =	stream.linear.gather [spmem:s19], $0x4000, $0x38;
	[tilespmem:$0x1E800] =	vst v63  }
0x85: {  	_ =	swait.ge [sflag:s25], $0x4000  }
0x86: {  	[sflag:s25] =	ssyncset.done $0x0  }
0x87: {  	[sflag:s25] =	ssyncadd.s32 $0xFFFFC000  }
0x88: {  	[hbm4b:s20+s3] =	stream.linear.scatter [tilespmem:s28], [sflag:$0x5], $0x4000, $0x38;
	[tilespmem:$0x1E800] =	vst v63  }
0x89: {  	_ =	swait.ge [sflag:s25], $0x4000  }
0x8a: {  	[sflag:s25] =	ssyncset.done $0x0  }
0x8b: {  	[sflag:s25] =	ssyncadd.s32 $0xFFFFC000  }
0x8c: {  	[tilespmem:s28], [sflag:$0x5] =	stream.linear.gather [spmem:s21], $0x4000, $0x38;
	[tilespmem:$0x1E800] =	vst v63  }
0x8d: {  	_ =	swait.ge [sflag:s25], $0x4000  }
0x8e: {  	[sflag:s25] =	ssyncset.done $0x0  }
0x8f: {  	[sflag:s25] =	ssyncadd.s32 $0xFFFFC000  }
0x90: {  	[hbm4b:s22+s3] =	stream.linear.scatter [tilespmem:s28], [sflag:$0x5], $0x4000, $0x38;
	[tilespmem:$0x1E800] =	vst v63  }
0x91: {  	_ =	swait.ge [sflag:s25], $0x4000  }
0x92: {  	[sflag:s25] =	ssyncset.done $0x0  }
0x93: {  	[sflag:s25] =	ssyncadd.s32 $0xFFFFC000  }
0x94: {  	[tilespmem:s28], [sflag:$0x5] =	stream.linear.gather [spmem:s23], $0x4000, $0x38;
	[tilespmem:$0x1E800] =	vst v63  }
0x95: {  	_ =	swait.ge [sflag:s25], $0x4000  }
0x96: {  	[sflag:s25] =	ssyncset.done $0x0  }
0x97: {  	[sflag:s25] =	ssyncadd.s32 $0xFFFFC000  }
0x98: {  	[hbm4b:s24+s3] =	stream.linear.scatter [tilespmem:s28], [sflag:$0x5], $0x4000, $0x38;
	[tilespmem:$0x1E800] =	vst v63  }
0x99: {  	_ =	swait.ge [sflag:s25], $0x4000  }
0x9a: {  	s6 =	sadd.s32 $0x1, s6;
	s7 =	rddreg [dreg:$0x6]  }
0x9b: {  	p0 =	sne.s32 s6, s7  }
.Ltmp3:
0x9c: {  	_ = 	snop;
	(pc) =	sbr.rel @p0 .LBB2_1-.Ltmp3, $3  }
0x9d: {  	_ =	sdelay $0x1  }
0x9e: {  	[sflag:s25] =	ssyncset.done $0x0  }
0x9f: {  	[sflag:s25] =	ssyncadd.s32 $0xFFFFC000  }
0xa0: {  	_ =	sfence.sel $0x180000  }
0xa1: {  	[bflag:$0x0] =	sbarrier.arrive $0xFFFF  }
0xa2: {  	_ =	strace $0x9000004A  }
0xa3: {  	s0 =	stileid.u32;
	[bflag:$0x2] =	sbarrier.arrive $0xFFFF  }
0xa4: {  	p0 =	sne.s32 s0, $0x0;
	s0 =	rddreg [dreg:$0x2]  }
0xa5: {  	s0 =	sadd.s32 @!p0 $0x100000, s0  }
0xa6: {  	[sflag:s0] =	ssyncadd.tile.s32 @!p0 $0x1;
	_ =	shalt  }
.Lfunc_end2:
_tile_overlayer_lowered:
.L_overlay_start_2:
0xa7: {  	(tag) =	ssettag $0x2  }
0xa8: {  	s0 =	rddreg [dreg:$0x0];
	s2 =	stileid.u32  }
0xa9: {  	s1 =	rddreg [dreg:$0x1];
	p0 =	sne.s32 s2, $0x0  }
0xaa: {  	s3 =	rddreg [dreg:$0x2];
	[bflag:$0x3] =	sbarrier.arrive $0xFFFF;
	s2 =	simm.s32 @!p0 $0x1C05  }
0xab: {  	[timem:s3], [sflag:s2] =	dma.local @!p0 [hbm:s0], s1  }
0xac: {  	s0 =	simm.s32 @!p0 $0x5  }
0xad: {  	_ =	swait.ge @!p0 [sflag:s0], s1  }
0xae: {  	s1 =	ssub.s32 @!p0 $0x0, s1;
	[sflag:s0] =	ssyncset.done @!p0 $0x0  }
0xaf: {  	[sflag:s0] =	ssyncadd.s32 @!p0 s1  }
0xb0: {  	[bflag:$0x3] =	sbarrier.arrive $0xFFFF  }
0xb1: {  	_ =	shalt  }

// kernel: kernel.7.cloned.1.call-start
scs
__scs_entry_jumppad:
0x0: {  	(pc) =	sbr.rel $0x88, $3  }
0x1: {  	(tag) =	ssettag $0x0;
	lr =	simm.s32 $0x1  }
0x2: {  	[smem:$0x3F94] =	sst lr;
	_ =	strace $0xD0000000  }
0x3: {  	_ = 	snop  }
0x4: {  	_ = 	snop  }
0x5: {  	_ = 	snop  }
0x6: {  	_ = 	snop  }
0x7: {  	_ = 	snop  }
__scs_overlays_trampoline_lowered:
0x8: {  	[smem:$0x3FA3] =	sst s0  }
0x9: {  	[smem:$0x3FA4] =	sst s1  }
0xa: {  	[smem:$0x3FA5] =	sst s2  }
0xb: {  	[smem:$0x3FA6] =	sst s3  }
0xc: {  	[smem:$0x3FA7] =	sst s4  }
0xd: {  	[smem:$0x3FA8] =	sst s5  }
0xe: {  	[smem:$0x3FA9] =	sst s6  }
0xf: {  	[smem:$0x3FAA] =	sst s7  }
0x10: {  	[smem:$0x3FAB] =	sst s8  }
0x11: {  	[smem:$0x3FAC] =	sst s9;
	s0 =	simm.s32 @!p0 $0x0  }
0x12: {  	s1 =	sld [smem:$0x3F92];
	s0 =	simm.s32 @p0 $0x1  }
0x13: {  	[smem:$0x3FAD] =	sst s0;
	s0 =	simm.s32 @!p1 $0x0  }
0x14: {  	s2 =	sld [smem:$0x3F91];
	s0 =	simm.s32 @p1 $0x1  }
0x15: {  	[smem:$0x3FAE] =	sst s0;
	s0 =	simm.s32 @!p2 $0x0  }
0x16: {  	s3 =	sld [smem:$0x3FDB];
	s0 =	simm.s32 @p2 $0x1  }
0x17: {  	s4 =	simm.s32 $0x1BF5;
	[smem:$0x3FB0] =	sst s0  }
0x18: {  	s0 =	sld [smem:$0x3F93];
	_ =	swait.ge [sflag:s4], $0x0  }
0x19: {  	s7 =	sld [smem:$0x3F94]  }
0x1a: {  	s8 =	sadd.s32 $0xFFFFE003, lr  }
0x1b: {  	s9 =	sadd.s32 $0xFFFFFEF7, lr;
	s5 =	simm.s32 $0xFFFFFFFF;
	p2 =	slt.u32 s8, $0xFFFFF086  }
0x1c: {  	p1 =	slt.u32 s9, $0xF7A;
	s5 =	simm.s32 @!p2 $0x0  }
0x1d: {  	s5 =	simm.s32 @p1 $0x1;
	p0 =	seq.s32 s7, s2  }
0x1e: {  	s7 =	smul.u32 @!p0 $0xF7A, s2;
	p2 =	seq.s32 @!p0 s5, $0x0  }
0x1f: {  	s9 =	smul.u32 $0xF7A, s1;
	s8 =	simm.s32 @!p0 $0x1BF5;
	p2 =	por !p2, p0  }
0x20: {  	[sflag:s8] =	ssyncset.s32 @!p0 $0xFFFFF086;
	s6 =	sadd.s32 @!p0 s3, s7;
	s7 =	simm.s32 @!p0 $0x108  }
0x21: {  	s3 =	sadd.s32 s3, s9;
	s6 =	sadd.s32 @!p0 $0x88, s6;
	s7 =	simm.s32 @p2 $0x1082  }
0x22: {  	[simem:s7], [sflag:s8] =	dma.local @!p0 [hbm:s6], $0xF7A  }
0x23: {  	s9 =	sor.u32 $0xD0000000, s2;
	s6 =	simm.s32 $0x108;
	_ =	swait.ge @!p0 [sflag:s8], $0x0  }
0x24: {  	s3 =	sadd.s32 $0x88, s3;
	s6 =	simm.s32 @!p1 $0x1082;
	[sflag:s4] =	ssyncset.s32 $0xFFFFF086  }
0x25: {  	[simem:s6], [sflag:s4] =	dma.local [hbm:s3], $0xF7A  }
0x26: {  	[smem:$0x3F94] =	sst s1;
	(tag) =	ssettag s2;
	_ =	strace s9  }
0x27: {  	s1 =	sld [smem:$0x3FA4]  }
0x28: {  	s2 =	sld [smem:$0x3FA5]  }
0x29: {  	s4 =	sld [smem:$0x3FA7]  }
0x2a: {  	p0 =	seq.s32 s5, $0x0;
	s5 =	sld [smem:$0x3FA8]  }
0x2b: {  	s6 =	sld [smem:$0x3FA9]  }
0x2c: {  	s7 =	sld [smem:$0x3FAA]  }
0x2d: {  	s3 =	simm.s32 $0x108;
	s8 =	sld [smem:$0x3FAB]  }
0x2e: {  	s3 =	simm.s32 @!p0 $0x1082;
	s9 =	sld [smem:$0x3FAC]  }
0x2f: {  	lr =	sadd.s32 s0, s3;
	s0 =	sld [smem:$0x3FA3]  }
0x30: {  	s3 =	sld [smem:$0x3FA6]  }
0x31: {  	[smem:$0x3FAF] =	sst s10  }
0x32: {  	s10 =	sld [smem:$0x3FAD];
	_ =	sdelay $0x3  }
0x33: {  	p0 =	seq.s32 s10, $0x1;
	s10 =	sld [smem:$0x3FAF];
	_ =	sdelay $0x3  }
0x34: {  	[smem:$0x3FAF] =	sst s10  }
0x35: {  	s10 =	sld [smem:$0x3FAE];
	_ =	sdelay $0x3  }
0x36: {  	p1 =	seq.s32 s10, $0x1;
	s10 =	sld [smem:$0x3FAF];
	_ =	sdelay $0x3  }
0x37: {  	[smem:$0x3FAF] =	sst s10  }
0x38: {  	s10 =	sld [smem:$0x3FB0]  }
0x39: {  	_ = 	snop;
	(pc) =	sbr.ind lr, $3  }
0x3a: {  	_ = 	snop  }
0x3b: {  	_ = 	snop  }
0x3c: {  	p2 =	seq.s32 s10, $0x1;
	s10 =	sld [smem:$0x3FAF]  }
0x3d: {  	_ =	shalt  }
0x3e: {  	_ =	shalt  }
0x3f: {  	_ =	shalt  }
0x40: {  	_ =	shalt  }
0x41: {  	_ =	shalt  }
0x42: {  	_ =	shalt  }
0x43: {  	_ =	shalt  }
0x44: {  	_ =	shalt  }
0x45: {  	_ =	shalt  }
0x46: {  	_ =	shalt  }
0x47: {  	_ =	shalt  }
0x48: {  	_ =	shalt  }
0x49: {  	_ =	shalt  }
0x4a: {  	_ =	shalt  }
0x4b: {  	_ =	shalt  }
0x4c: {  	_ =	shalt  }
0x4d: {  	_ =	shalt  }
0x4e: {  	_ =	shalt  }
0x4f: {  	_ =	shalt  }
0x50: {  	_ =	shalt  }
0x51: {  	_ =	shalt  }
0x52: {  	_ =	shalt  }
0x53: {  	_ =	shalt  }
0x54: {  	_ =	shalt  }
0x55: {  	_ =	shalt  }
0x56: {  	_ =	shalt  }
0x57: {  	_ =	shalt  }
0x58: {  	_ =	shalt  }
0x59: {  	_ =	shalt  }
0x5a: {  	_ =	shalt  }
0x5b: {  	_ =	shalt  }
0x5c: {  	_ =	shalt  }
0x5d: {  	_ =	shalt  }
0x5e: {  	_ =	shalt  }
0x5f: {  	_ =	shalt  }
0x60: {  	_ =	shalt  }
0x61: {  	_ =	shalt  }
0x62: {  	_ =	shalt  }
0x63: {  	_ =	shalt  }
0x64: {  	_ =	shalt  }
0x65: {  	_ =	shalt  }
0x66: {  	_ =	shalt  }
0x67: {  	_ =	shalt  }
0x68: {  	_ =	shalt  }
0x69: {  	_ =	shalt  }
0x6a: {  	_ =	shalt  }
0x6b: {  	_ =	shalt  }
0x6c: {  	_ =	shalt  }
0x6d: {  	_ =	shalt  }
0x6e: {  	_ =	shalt  }
0x6f: {  	_ =	shalt  }
0x70: {  	_ =	shalt  }
0x71: {  	_ =	shalt  }
0x72: {  	_ =	shalt  }
0x73: {  	_ =	shalt  }
0x74: {  	_ =	shalt  }
0x75: {  	_ =	shalt  }
0x76: {  	_ =	shalt  }
0x77: {  	_ =	shalt  }
0x78: {  	_ =	shalt  }
0x79: {  	_ =	shalt  }
0x7a: {  	_ =	shalt  }
0x7b: {  	_ =	shalt  }
0x7c: {  	_ =	shalt  }
0x7d: {  	_ =	shalt  }
0x7e: {  	_ =	shalt  }
0x7f: {  	_ =	shalt  }
0x80: {  	_ =	shalt  }
0x81: {  	_ =	shalt  }
0x82: {  	_ =	shalt  }
0x83: {  	_ =	shalt  }
0x84: {  	_ =	shalt  }
0x85: {  	_ =	shalt  }
0x86: {  	_ =	shalt  }
0x87: {  	_ =	shalt  }
.Lfunc_end0:
.L_simem_size_0:
called_computation_lowered:
.L_overlay_start_0:
0x88: {  	s2 =	sld [smem:$0x3FD9]  }
0x89: {  	s3 =	sld [smem:$0x3FFE];
	_ =	sdelay $0x1  }
0x8a: {  	s1 =	srdreg.scid  }
0x8b: {  	s0 =	sand.u32 $0x1, s1  }
0x8c: {  	s17 =	sshll.u32 s0, $0xA;
	s2 =	sadd.s32 s3, s2  }
0x8d: {  	s2 =	sadd.s32 s2, s17  }
0x8e: {  	[smem:$0x3FBB] =	sst s2  }
0x8f: {  	_ = 	snop  }
0x90: {  	s2 =	sld [smem:$0x3FD0];
	(tm) =	ssettm $0x1  }
0x91: {  	s18 =	sld [smem:$0x3FFB];
	_ =	sdelay $0x3  }
0x92: {  	_ =	strace s18  }
0x93: {  	s3 =	sld [smem:$0x3FFC];
	_ =	sdelay $0x3  }
0x94: {  	_ =	strace s3  }
0x95: {  	s3 =	sld [smem:$0x3FFD];
	_ =	sdelay $0x3  }
0x96: {  	_ =	strace s3  }
0x97: {  	_ =	strace $0x8FFFFFFF  }
0x98: {  	s19 =	sld [smem:$0x3FDB];
	_ =	sdelay $0x1  }
0x99: {  	s4 =	simm.s32 $_scs_section_size  }
0x9a: {  	s5 =	simm.s32 $_size__tile_overlayer_lowered;
	s6 =	simm.s32 $_tile_overlayer_lowered  }
0x9b: {  	s22 =	simm.s32 $0x1BFF;
	s21 =	sshll.u32 s6, $0x1;
	s3 =	sadd.s32 s4, s19  }
0x9c: {  	s7 =	simm.s32 $0x0;
	s20 =	sshll.u32 s5, $0x1;
	s5 =	sadd.s32 s21, s3  }
0x9d: {  	[timem:s7], [sflag:s22] =	dma.local [hbm:s5], s20  }
0x9e: {  	_ =	swait.ge [sflag:s22], s20  }
0x9f: {  	s4 =	ssub.s32 $0x0, s20;
	[sflag:s22] =	ssyncset.done $0x0  }
0xa0: {  	[sflag:s22] =	ssyncadd.s32 s4;
	_ =	sdelay $0x1  }
0xa1: {  	s23 =	simm.s32 $0x1B8B  }
0xa2: {  	_ =	swait.ge [sflag:s23], $0x1  }
0xa3: {  	[sflag:s23] =	ssyncset.done $0x0  }
0xa4: {  	s25 =	simm.s32 $0x1B8E;
	s24 =	sld [smem:$0x3FFE];
	[sflag:s23] =	ssyncadd.s32 $0xFFFFFFFF  }
0xa5: {  	s26 =	simm.s32 $execute0_lowered;
	[smem:$0x3FD2] =	sst s25  }
0xa6: {  	s5 =	sshll.u32 s26, $0x1;
	_ =	strace $0x80000046;
	[dreg:$0x1] =	wrdreg $0xFFFFFFFF  }
0xa7: {  	s28 =	simm.s32 $_size_execute0_lowered;
	s3 =	sadd.s32 s3, s5;
	[dreg:$0x0] =	wrdreg $0x0  }
0xa8: {  	s5 =	sshll.u32 s28, $0x1;
	[dreg:$0x2] =	wrdreg s3  }
0xa9: {  	[dreg:$0x3] =	wrdreg s5  }
0xaa: {  	[dreg:$0x4] =	wrdreg $0xC0  }
0xab: {  	_ =	task [dreg:s7], $0x5FFFF  }
0xac: {  	[dreg:$0x1] =	wrdreg $0xFFFFFFFF  }
0xad: {  	[dreg:$0x0] =	wrdreg $0x60  }
0xae: {  	[dreg:$0x2] =	wrdreg s24  }
0xaf: {  	[dreg:$0x3] =	wrdreg s2  }
0xb0: {  	[dreg:$0x4] =	wrdreg $0x30000  }
0xb1: {  	[dreg:$0x5] =	wrdreg $0x9  }
0xb2: {  	_ =	task.clear_ibuf [dreg:s7], $0x6FFFF;
	_ =	strace $0x90000046  }
0xb3: {  	s29 =	simm.s32 $0x9;
	_ =	strace $0x80000048  }
0xb4: {  	_ =	swait.ge [sflag:s29], $0x1  }
0xb5: {  	[sflag:s29] =	ssyncadd.s32 $0xFFFFFFFF  }
0xb6: {  	_ =	strace $0x90000048  }
0xb7: {  	_ =	sfence  }
0xb8: {  	s30 =	sld [smem:$0x0];
	_ =	sdelay $0x2  }
0xb9: {  	s31 =	sshll.u32 s1, $0xD;
	s1 =	sshrl.u32 s1, $0x2  }
0xba: {  	s3 =	sand.u32 $0x4000, s31;
	s1 =	sadd.s32 s1, s30  }
0xbb: {  	s0 =	sor.u32 s3, s0;
	s1 =	sshll.u32 s1, $0x11  }
0xbc: {  	s0 =	sor.u32 s1, s0  }
0xbd: {  	s0 =	sadd.s32 $0x8F2B, s0  }
0xbe: {  	[sflag:s0] =	ssyncadd.remote.s32 $0x1  }
0xbf: {  	_ =	sfence.sel $0xFFFF  }
0xc0: {  	[dreg:$0x0] =	wrdreg $0xFFFFFFFF;
	(pc) =	sbr.abs _section_cstart, $3  }
0xc1: {  	[dreg:$0x1] =	wrdreg $0xFFFFFFFF  }
0xc2: {  	_ =	task.clear_ibuf [dreg:s7], $0x2FFFF;
	_ =	strace $0x9FFFFFFF  }
0xc3: {  	(tm) =	ssettm $0x7FFFFFFF  }
tec
execute0_lowered:
.L_overlay_start_1:
0x0: {  	(tag) =	ssettag $0x1  }
0x1: {  	s6 =	rddreg [dreg:$0x0]  }
0x2: {  	s2 =	rddreg [dreg:$0x1];
	s1 =	srdreg.scid  }
0x3: {  	s0 =	stileid.u32;
	s3 =	rddreg [dreg:$0x2]  }
0x4: {  	s4 =	simm.s32 $0x0;
	s24 =	simm.s32 $0x80;
	s25 =	simm.s32 $0x1  }
0x5: {  	s26 =	simm.s32 $0x0;
	s8 =	sand.u32 $0x1, s1;
	s1 =	rddreg [dreg:$0x3]  }
0x6: {  	s5 =	sshll.u32 s0, $0x1;
	[smem:$0x7FF] =	sst s4;
	s21 =	sadd.s32 $0x16C00, s6  }
0x7: {  	s18 =	sshll.u32 s0, $0xB;
	s5 =	sor.u32 s8, s5;
	_ =	strace $0x80000047  }
0x8: {  	s7 =	ssub.s32 $0x2, s8;
	s19 =	smul.u32 $0x28000, s8;
	s14 =	sor.u32 $0x8000, s18  }
0x9: {  	s16 =	sor.u32 $0x10000, s18;
	s20 =	sor.u32 $0x18000, s18;
	s10 =	sshrl.u32 s7, $0x1  }
0xa: {  	s23 =	sor.u32 $0x20000, s18;
	s5 =	smul.u32 $0x500, s5;
	s10 =	ssub.s32 s7, s10  }
0xb: {  	s7 =	sadd.s32 s18, s3;
	s13 =	sor.u32 s19, s18;
	s15 =	sadd.s32 s19, s14  }
0xc: {  	s14 =	sadd.s32 s14, s3;
	s17 =	sadd.s32 s19, s16;
	s16 =	sadd.s32 s16, s3  }
0xd: {  	s22 =	sadd.s32 s19, s20;
	s18 =	sadd.s32 s20, s3;
	s31 =	sadd.s32 s19, s23  }
0xe: {  	s20 =	sadd.s32 s23, s3;
	s23 =	simm.s32 $0x2800;
	s9 =	sadd.s32 s5, s6  }
0xf: {  	s5 =	sadd.s32 $0x16A00, s6;
	s8 =	smax.u32 s10, $0x1;
	s10 =	sadd.s32 $0x10000, s7  }
0x10: {  	s11 =	sadd.s32 $0x18000, s7;
	s12 =	sadd.s32 $0x20000, s7;
	s13 =	sshrl.u32 s13, $0x3  }
0x11: {  	s15 =	sshrl.u32 s15, $0x3;
	s17 =	sshrl.u32 s17, $0x3;
	s30 =	sshrl.u32 s22, $0x3  }
0x12: {  	s22 =	sshrl.u32 s31, $0x3;
	s6 =	sadd.s32 $0xCA00, s9;
	s9 =	sadd.s32 $0x8000, s7  }
0x13: {  	s13 =	sadd.s32 s21, s13;
	s15 =	sadd.s32 s21, s15;
	s17 =	sadd.s32 s21, s17  }
0x14: {  	s19 =	sadd.s32 s21, s30;
	s21 =	sadd.s32 s21, s22;
	s22 =	simm.s32 $0x2  }
.LBB2_1:
0x15: {  	[tilespmem:s4], [sflag:$0x2] =	stream.linear.gather [hbm4b:s6+s4], $0x2800, $0x38;
	[tilespmem:$0x5800] =	vst v63  }
0x16: {  	_ =	swait.ge [sflag:s22], $0x2800  }
0x17: {  	[sflag:s22] =	ssyncset.done $0x0  }
0x18: {  	[sflag:s22] =	ssyncadd.s32 $0xFFFFD800  }
0x19: {  	[tilespmem:s23], [sflag:$0x2] =	stream.linear.gather [hbm4b:s2+s4], $0x800, $0x38;
	[tilespmem:$0x5800] =	vst v63  }
0x1a: {  	_ =	swait.ge [sflag:s22], $0x800  }
0x1b: {  	[sflag:s22] =	ssyncset.done $0x0  }
0x1c: {  	[sflag:s22] =	ssyncadd.s32 $0xFFFFF800  }
0x1d: {  	[spmem:s7] =	stream.linear.scatter [tilespmem:s23], [sflag:$0x2], $0x800, $0x38;
	[tilespmem:$0x5800] =	vst v63  }
0x1e: {  	_ =	swait.ge [sflag:s22], $0x800  }
0x1f: {  	[sflag:s22] =	ssyncset.done $0x0  }
0x20: {  	[sflag:s22] =	ssyncadd.s32 $0xFFFFF800  }
0x21: {  	[spmem:s9] =	stream.linear.scatter [tilespmem:s23], [sflag:$0x2], $0x800, $0x38;
	[tilespmem:$0x5800] =	vst v63  }
0x22: {  	_ =	swait.ge [sflag:s22], $0x800  }
0x23: {  	[sflag:s22] =	ssyncset.done $0x0  }
0x24: {  	[sflag:s22] =	ssyncadd.s32 $0xFFFFF800  }
0x25: {  	[spmem:s10] =	stream.linear.scatter [tilespmem:s23], [sflag:$0x2], $0x800, $0x38;
	[tilespmem:$0x5800] =	vst v63  }
0x26: {  	_ =	swait.ge [sflag:s22], $0x800  }
0x27: {  	[sflag:s22] =	ssyncset.done $0x0  }
0x28: {  	[sflag:s22] =	ssyncadd.s32 $0xFFFFF800  }
0x29: {  	[spmem:s11] =	stream.linear.scatter [tilespmem:s23], [sflag:$0x2], $0x800, $0x38;
	[tilespmem:$0x5800] =	vst v63  }
0x2a: {  	_ =	swait.ge [sflag:s22], $0x800  }
0x2b: {  	[sflag:s22] =	ssyncset.done $0x0  }
0x2c: {  	[sflag:s22] =	ssyncadd.s32 $0xFFFFF800  }
0x2d: {  	[spmem:s12] =	stream.linear.scatter [tilespmem:s23], [sflag:$0x2], $0x800, $0x38;
	[tilespmem:$0x5800] =	vst v63  }
0x2e: {  	_ =	swait.ge [sflag:s22], $0x800  }
0x2f: {  	[sflag:s22] =	ssyncset.done $0x0  }
0x30: {  	[sflag:s22] =	ssyncadd.s32 $0xFFFFF800  }
0x31: {  	[tilespmem:s23], [sflag:$0x2] =	stream.linear.gather [hbm4b:s5+s4], $0x800, $0x38;
	[tilespmem:$0x5800] =	vst v63  }
0x32: {  	_ =	swait.ge [sflag:s22], $0x800  }
0x33: {  	[sflag:s22] =	ssyncset.done $0x0  }
0x34: {  	[sflag:s22] =	ssyncadd.s32 $0xFFFFF800  }
0x35: {  	s28 =	simm.s32 $0x0;
	[bflag:$0x0] =	sbarrier.arrive $0xFFFF  }
0x36: {  	[spmem:s3] =	stream.indirect.scatter.add.f32 [tilespmem:s23], [sflag:$0x1], $0x10, s28, s24, $0xb8;
	[tilespmem:$0x5800] =	vst v63  }
0x37: {  	s28 =	simm.s32 $0x80  }
0x38: {  	[spmem:s3] =	stream.indirect.scatter.add.f32 [tilespmem:s23], [sflag:$0x1], $0x10, s28, s24, $0xb8;
	[tilespmem:$0x5800] =	vst v63  }
0x39: {  	s28 =	simm.s32 $0x100  }
0x3a: {  	[spmem:s3] =	stream.indirect.scatter.add.f32 [tilespmem:s23], [sflag:$0x1], $0x10, s28, s24, $0xb8;
	[tilespmem:$0x5800] =	vst v63  }
0x3b: {  	s28 =	simm.s32 $0x180  }
0x3c: {  	[spmem:s3] =	stream.indirect.scatter.add.f32 [tilespmem:s23], [sflag:$0x1], $0x10, s28, s24, $0xb8;
	[tilespmem:$0x5800] =	vst v63  }
0x3d: {  	s28 =	simm.s32 $0x200  }
0x3e: {  	[spmem:s3] =	stream.indirect.scatter.add.f32 [tilespmem:s23], [sflag:$0x1], $0x10, s28, s24, $0xb8;
	[tilespmem:$0x5800] =	vst v63  }
0x3f: {  	s28 =	simm.s32 $0x280  }
0x40: {  	[spmem:s3] =	stream.indirect.scatter.add.f32 [tilespmem:s23], [sflag:$0x1], $0x10, s28, s24, $0xb8;
	[tilespmem:$0x5800] =	vst v63  }
0x41: {  	s28 =	simm.s32 $0x300  }
0x42: {  	[spmem:s3] =	stream.indirect.scatter.add.f32 [tilespmem:s23], [sflag:$0x1], $0x10, s28, s24, $0xb8;
	[tilespmem:$0x5800] =	vst v63  }
0x43: {  	s28 =	simm.s32 $0x380  }
0x44: {  	[spmem:s3] =	stream.indirect.scatter.add.f32 [tilespmem:s23], [sflag:$0x1], $0x10, s28, s24, $0xb8;
	[tilespmem:$0x5800] =	vst v63  }
0x45: {  	_ =	swait.ge [sflag:s25], $0x800  }
0x46: {  	[sflag:s25] =	ssyncset.done $0x0  }
0x47: {  	[sflag:s25] =	ssyncadd.s32 $0xFFFFF800  }
0x48: {  	_ =	swait.ge [sflag:s25], $0x800  }
0x49: {  	[sflag:s25] =	ssyncset.done $0x0  }
0x4a: {  	[sflag:s25] =	ssyncadd.s32 $0xFFFFF800  }
0x4b: {  	_ =	swait.ge [sflag:s25], $0x800  }
0x4c: {  	[sflag:s25] =	ssyncset.done $0x0  }
0x4d: {  	[sflag:s25] =	ssyncadd.s32 $0xFFFFF800  }
0x4e: {  	_ =	swait.ge [sflag:s25], $0x800  }
0x4f: {  	[sflag:s25] =	ssyncset.done $0x0  }
0x50: {  	[sflag:s25] =	ssyncadd.s32 $0xFFFFF800  }
0x51: {  	_ =	swait.ge [sflag:s25], $0x800  }
0x52: {  	[sflag:s25] =	ssyncset.done $0x0  }
0x53: {  	[sflag:s25] =	ssyncadd.s32 $0xFFFFF800  }
0x54: {  	_ =	swait.ge [sflag:s25], $0x800  }
0x55: {  	[sflag:s25] =	ssyncset.done $0x0  }
0x56: {  	[sflag:s25] =	ssyncadd.s32 $0xFFFFF800  }
0x57: {  	_ =	swait.ge [sflag:s25], $0x800  }
0x58: {  	[sflag:s25] =	ssyncset.done $0x0  }
0x59: {  	[sflag:s25] =	ssyncadd.s32 $0xFFFFF800  }
0x5a: {  	_ =	swait.ge [sflag:s25], $0x800  }
0x5b: {  	s30 =	simm.s32 $0x2000;
	s28 =	simm.s32 $0x1000;
	[sflag:s25] =	ssyncset.done $0x0  }
.LBB2_2:
0x5c: {  	s31 =	sshra.s32 s28, $0x2  }
0x5d: {  	[sflag:s25] =	ssyncadd.s32 $0xFFFFF800;
	s28 =	smov.u32 s30;
	s29 =	sadd.s32 $0x1000, s30  }
0x5e: {  	[spmem:s3] =	stream.indirect.scatter.add.f32 [tilespmem:s23], [sflag:$0x1], $0x10, s31, s24, $0xb8;
	[tilespmem:$0x5800] =	vst v63  }
0x5f: {  	p0 =	sne.s32 s30, $0x9000;
	s30 =	sadd.s32 $0x80, s31  }
0x60: {  	[spmem:s3] =	stream.indirect.scatter.add.f32 [tilespmem:s23], [sflag:$0x1], $0x10, s30, s24, $0xb8;
	[tilespmem:$0x5800] =	vst v63  }
0x61: {  	s30 =	sadd.s32 $0x100, s31  }
0x62: {  	[spmem:s3] =	stream.indirect.scatter.add.f32 [tilespmem:s23], [sflag:$0x1], $0x10, s30, s24, $0xb8;
	[tilespmem:$0x5800] =	vst v63  }
0x63: {  	s30 =	sadd.s32 $0x180, s31  }
0x64: {  	[spmem:s3] =	stream.indirect.scatter.add.f32 [tilespmem:s23], [sflag:$0x1], $0x10, s30, s24, $0xb8;
	[tilespmem:$0x5800] =	vst v63  }
0x65: {  	s30 =	sadd.s32 $0x200, s31  }
0x66: {  	[spmem:s3] =	stream.indirect.scatter.add.f32 [tilespmem:s23], [sflag:$0x1], $0x10, s30, s24, $0xb8;
	[tilespmem:$0x5800] =	vst v63  }
0x67: {  	s30 =	sadd.s32 $0x280, s31  }
0x68: {  	[spmem:s3] =	stream.indirect.scatter.add.f32 [tilespmem:s23], [sflag:$0x1], $0x10, s30, s24, $0xb8;
	[tilespmem:$0x5800] =	vst v63  }
0x69: {  	s30 =	sadd.s32 $0x300, s31  }
0x6a: {  	[spmem:s3] =	stream.indirect.scatter.add.f32 [tilespmem:s23], [sflag:$0x1], $0x10, s30, s24, $0xb8;
	[tilespmem:$0x5800] =	vst v63  }
0x6b: {  	s30 =	sadd.s32 $0x380, s31  }
0x6c: {  	[spmem:s3] =	stream.indirect.scatter.add.f32 [tilespmem:s23], [sflag:$0x1], $0x10, s30, s24, $0xb8;
	[tilespmem:$0x5800] =	vst v63  }
0x6d: {  	_ =	swait.ge [sflag:s25], $0x800  }
0x6e: {  	[sflag:s25] =	ssyncset.done $0x0  }
0x6f: {  	[sflag:s25] =	ssyncadd.s32 $0xFFFFF800  }
0x70: {  	_ =	swait.ge [sflag:s25], $0x800  }
0x71: {  	[sflag:s25] =	ssyncset.done $0x0  }
0x72: {  	[sflag:s25] =	ssyncadd.s32 $0xFFFFF800  }
0x73: {  	_ =	swait.ge [sflag:s25], $0x800  }
0x74: {  	[sflag:s25] =	ssyncset.done $0x0  }
0x75: {  	[sflag:s25] =	ssyncadd.s32 $0xFFFFF800  }
0x76: {  	_ =	swait.ge [sflag:s25], $0x800  }
0x77: {  	[sflag:s25] =	ssyncset.done $0x0  }
0x78: {  	[sflag:s25] =	ssyncadd.s32 $0xFFFFF800  }
0x79: {  	_ =	swait.ge [sflag:s25], $0x800  }
0x7a: {  	[sflag:s25] =	ssyncset.done $0x0  }
0x7b: {  	[sflag:s25] =	ssyncadd.s32 $0xFFFFF800  }
0x7c: {  	_ =	swait.ge [sflag:s25], $0x800  }
0x7d: {  	[sflag:s25] =	ssyncset.done $0x0  }
0x7e: {  	[sflag:s25] =	ssyncadd.s32 $0xFFFFF800  }
.Ltmp0:
0x7f: {  	_ =	swait.ge [sflag:s25], $0x800;
	(pc) =	sbr.rel @p0 .LBB2_2-.Ltmp0, $4  }
0x80: {  	[sflag:s25] =	ssyncset.done $0x0  }
0x81: {  	[sflag:s25] =	ssyncadd.s32 $0xFFFFF800  }
0x82: {  	_ =	swait.ge [sflag:s25], $0x800  }
0x83: {  	s30 =	smov.u32 s29;
	[sflag:s25] =	ssyncset.done $0x0  }
0x84: {  	s28 =	sshra.s32 s28, $0x2;
	[sflag:s25] =	ssyncadd.s32 $0xFFFFF800  }
0x85: {  	[spmem:s3] =	stream.indirect.scatter.add.f32 [tilespmem:s23], [sflag:$0x1], $0x10, s28, s24, $0xb8;
	[tilespmem:$0x5800] =	vst v63  }
0x86: {  	s29 =	sadd.s32 $0x80, s28  }
0x87: {  	[spmem:s3] =	stream.indirect.scatter.add.f32 [tilespmem:s23], [sflag:$0x1], $0x10, s29, s24, $0xb8;
	[tilespmem:$0x5800] =	vst v63  }
0x88: {  	s31 =	sadd.s32 $0x100, s28  }
0x89: {  	[spmem:s3] =	stream.indirect.scatter.add.f32 [tilespmem:s23], [sflag:$0x1], $0x10, s31, s24, $0xb8;
	[tilespmem:$0x5800] =	vst v63  }
0x8a: {  	s30 =	sadd.s32 $0x180, s28  }
0x8b: {  	[spmem:s3] =	stream.indirect.scatter.add.f32 [tilespmem:s23], [sflag:$0x1], $0x10, s30, s24, $0xb8;
	[tilespmem:$0x5800] =	vst v63  }
0x8c: {  	s31 =	sadd.s32 $0x200, s28  }
0x8d: {  	[spmem:s3] =	stream.indirect.scatter.add.f32 [tilespmem:s23], [sflag:$0x1], $0x10, s31, s24, $0xb8;
	[tilespmem:$0x5800] =	vst v63  }
0x8e: {  	s30 =	sadd.s32 $0x280, s28  }
0x8f: {  	[spmem:s3] =	stream.indirect.scatter.add.f32 [tilespmem:s23], [sflag:$0x1], $0x10, s30, s24, $0xb8;
	[tilespmem:$0x5800] =	vst v63  }
0x90: {  	s31 =	sadd.s32 $0x300, s28  }
0x91: {  	[spmem:s3] =	stream.indirect.scatter.add.f32 [tilespmem:s23], [sflag:$0x1], $0x10, s31, s24, $0xb8;
	[tilespmem:$0x5800] =	vst v63  }
0x92: {  	s28 =	sadd.s32 $0x380, s28  }
0x93: {  	[spmem:s3] =	stream.indirect.scatter.add.f32 [tilespmem:s23], [sflag:$0x1], $0x10, s28, s24, $0xb8;
	[tilespmem:$0x5800] =	vst v63  }
0x94: {  	_ =	swait.ge [sflag:s25], $0x800  }
0x95: {  	[sflag:s25] =	ssyncset.done $0x0  }
0x96: {  	[sflag:s25] =	ssyncadd.s32 $0xFFFFF800  }
0x97: {  	_ =	swait.ge [sflag:s25], $0x800  }
0x98: {  	[sflag:s25] =	ssyncset.done $0x0  }
0x99: {  	[sflag:s25] =	ssyncadd.s32 $0xFFFFF800  }
0x9a: {  	_ =	swait.ge [sflag:s25], $0x800  }
0x9b: {  	[sflag:s25] =	ssyncset.done $0x0  }
0x9c: {  	[sflag:s25] =	ssyncadd.s32 $0xFFFFF800  }
0x9d: {  	_ =	swait.ge [sflag:s25], $0x800  }
0x9e: {  	[sflag:s25] =	ssyncset.done $0x0  }
0x9f: {  	[sflag:s25] =	ssyncadd.s32 $0xFFFFF800  }
0xa0: {  	_ =	swait.ge [sflag:s25], $0x800  }
0xa1: {  	[sflag:s25] =	ssyncset.done $0x0  }
0xa2: {  	[sflag:s25] =	ssyncadd.s32 $0xFFFFF800  }
0xa3: {  	_ =	swait.ge [sflag:s25], $0x800  }
0xa4: {  	[sflag:s25] =	ssyncset.done $0x0  }
0xa5: {  	[sflag:s25] =	ssyncadd.s32 $0xFFFFF800  }
0xa6: {  	_ =	swait.ge [sflag:s25], $0x800  }
0xa7: {  	[sflag:s25] =	ssyncset.done $0x0  }
0xa8: {  	[sflag:s25] =	ssyncadd.s32 $0xFFFFF800  }
0xa9: {  	_ =	swait.ge [sflag:s25], $0x800  }
0xaa: {  	[sflag:s25] =	ssyncset.done $0x0  }
0xab: {  	[sflag:s25] =	ssyncadd.s32 $0xFFFFF800  }
0xac: {  	[bflag:$0x0] =	sbarrier.arrive $0xFFFF  }
0xad: {  	[tilespmem:s23], [sflag:$0x2] =	stream.linear.gather [spmem:s7], $0x800, $0x38;
	[tilespmem:$0x5800] =	vst v63  }
0xae: {  	_ =	swait.ge [sflag:s22], $0x800  }
0xaf: {  	[sflag:s22] =	ssyncset.done $0x0  }
0xb0: {  	[sflag:s22] =	ssyncadd.s32 $0xFFFFF800  }
0xb1: {  	[hbm4b:s13+s4] =	stream.linear.scatter [tilespmem:s23], [sflag:$0x2], $0x800, $0x38;
	[tilespmem:$0x5800] =	vst v63  }
0xb2: {  	_ =	swait.ge [sflag:s22], $0x800  }
0xb3: {  	[sflag:s22] =	ssyncset.done $0x0  }
0xb4: {  	[sflag:s22] =	ssyncadd.s32 $0xFFFFF800  }
0xb5: {  	[tilespmem:s23], [sflag:$0x2] =	stream.linear.gather [spmem:s14], $0x800, $0x38;
	[tilespmem:$0x5800] =	vst v63  }
0xb6: {  	_ =	swait.ge [sflag:s22], $0x800  }
0xb7: {  	[sflag:s22] =	ssyncset.done $0x0  }
0xb8: {  	[sflag:s22] =	ssyncadd.s32 $0xFFFFF800  }
0xb9: {  	[hbm4b:s15+s4] =	stream.linear.scatter [tilespmem:s23], [sflag:$0x2], $0x800, $0x38;
	[tilespmem:$0x5800] =	vst v63  }
0xba: {  	_ =	swait.ge [sflag:s22], $0x800  }
0xbb: {  	[sflag:s22] =	ssyncset.done $0x0  }
0xbc: {  	[sflag:s22] =	ssyncadd.s32 $0xFFFFF800  }
0xbd: {  	[tilespmem:s23], [sflag:$0x2] =	stream.linear.gather [spmem:s16], $0x800, $0x38;
	[tilespmem:$0x5800] =	vst v63  }
0xbe: {  	_ =	swait.ge [sflag:s22], $0x800  }
0xbf: {  	[sflag:s22] =	ssyncset.done $0x0  }
0xc0: {  	[sflag:s22] =	ssyncadd.s32 $0xFFFFF800  }
0xc1: {  	[hbm4b:s17+s4] =	stream.linear.scatter [tilespmem:s23], [sflag:$0x2], $0x800, $0x38;
	[tilespmem:$0x5800] =	vst v63  }
0xc2: {  	_ =	swait.ge [sflag:s22], $0x800  }
0xc3: {  	[sflag:s22] =	ssyncset.done $0x0  }
0xc4: {  	[sflag:s22] =	ssyncadd.s32 $0xFFFFF800  }
0xc5: {  	[tilespmem:s23], [sflag:$0x2] =	stream.linear.gather [spmem:s18], $0x800, $0x38;
	[tilespmem:$0x5800] =	vst v63  }
0xc6: {  	_ =	swait.ge [sflag:s22], $0x800  }
0xc7: {  	[sflag:s22] =	ssyncset.done $0x0  }
0xc8: {  	[sflag:s22] =	ssyncadd.s32 $0xFFFFF800  }
0xc9: {  	[hbm4b:s19+s4] =	stream.linear.scatter [tilespmem:s23], [sflag:$0x2], $0x800, $0x38;
	[tilespmem:$0x5800] =	vst v63  }
0xca: {  	_ =	swait.ge [sflag:s22], $0x800  }
0xcb: {  	[sflag:s22] =	ssyncset.done $0x0  }
0xcc: {  	[sflag:s22] =	ssyncadd.s32 $0xFFFFF800  }
0xcd: {  	[tilespmem:s23], [sflag:$0x2] =	stream.linear.gather [spmem:s20], $0x800, $0x38;
	[tilespmem:$0x5800] =	vst v63  }
0xce: {  	s26 =	sadd.s32 $0x1, s26;
	_ =	swait.ge [sflag:s22], $0x800  }
0xcf: {  	p0 =	sne.s32 s26, s8;
	[sflag:s22] =	ssyncset.done $0x0  }
.Ltmp1:
0xd0: {  	[sflag:s22] =	ssyncadd.s32 $0xFFFFF800;
	(pc) =	sbr.rel @p0 .LBB2_1-.Ltmp1, $4  }
0xd1: {  	[hbm4b:s21+s4] =	stream.linear.scatter [tilespmem:s23], [sflag:$0x2], $0x800, $0x38;
	[tilespmem:$0x5800] =	vst v63  }
0xd2: {  	_ =	swait.ge [sflag:s22], $0x800  }
0xd3: {  	[sflag:s22] =	ssyncset.done $0x0  }
0xd4: {  	[sflag:s22] =	ssyncadd.s32 $0xFFFFF800  }
0xd5: {  	_ =	sfence.sel $0x180000  }
0xd6: {  	[bflag:$0x0] =	sbarrier.arrive $0xFFFF  }
0xd7: {  	p0 =	sne.s32 s0, $0x0;
	_ =	strace $0x90000047  }
0xd8: {  	s0 =	sadd.s32 @!p0 $0x100000, s1;
	[bflag:$0x2] =	sbarrier.arrive $0xFFFF  }
0xd9: {  	[sflag:s0] =	ssyncadd.tile.s32 @!p0 $0x1;
	_ =	shalt  }
.Lfunc_end2:
_tile_overlayer_lowered:
.L_overlay_start_2:
0xda: {  	(tag) =	ssettag $0x2  }
0xdb: {  	s0 =	rddreg [dreg:$0x0];
	s2 =	stileid.u32  }
0xdc: {  	s1 =	rddreg [dreg:$0x1];
	p0 =	sne.s32 s2, $0x0  }
0xdd: {  	s3 =	rddreg [dreg:$0x2];
	[bflag:$0x3] =	sbarrier.arrive $0xFFFF;
	s2 =	simm.s32 @!p0 $0x1C02  }
0xde: {  	[timem:s3], [sflag:s2] =	dma.local @!p0 [hbm:s0], s1  }
0xdf: {  	s0 =	simm.s32 @!p0 $0x2  }
0xe0: {  	_ =	swait.ge @!p0 [sflag:s0], s1  }
0xe1: {  	s1 =	ssub.s32 @!p0 $0x0, s1;
	[sflag:s0] =	ssyncset.done @!p0 $0x0  }
0xe2: {  	[sflag:s0] =	ssyncadd.s32 @!p0 s1  }
0xe3: {  	[bflag:$0x3] =	sbarrier.arrive $0xFFFF  }
0xe4: {  	_ =	shalt  }

</sc_bundles>
